<compile_context>
chip_gen: v7x
topology: tpu7x:2x2x1
jax: 0.10.2.dev20260603
libtpu: 0.0.44.dev20260713+nightly
codegen_flags: <defaults>
</compile_context>

<pallas_src>
import functools

import jax
import jax.numpy as jnp
from jax.experimental import pallas as pl
from jax.experimental.pallas import tpu as pltpu
from jax.experimental.pallas import tpu_sc as plsc

_NC, _NS = 2, 16
_NW = _NC * _NS


_WINDOW = 128
_NBUF = 4


def _sc_gather(tables, row_idx, n_rows, n_flat, d):
    window = _WINDOW
    assert n_rows % (_NW * window * _NBUF) == 0
    b_per_w = n_rows // _NW
    n_groups = b_per_w // (window * _NBUF)
    mesh = plsc.VectorSubcoreMesh(core_axis_name="c", subcore_axis_name="s")

    @functools.partial(
        pl.kernel,
        out_type=jax.ShapeDtypeStruct((n_rows, 1, d), tables.dtype),
        mesh=mesh,
        scratch_types=[
            pltpu.VMEM((b_per_w,), jnp.int32),
            *([pltpu.VMEM((window, 1, d), tables.dtype)] * _NBUF),
            *([pltpu.SemaphoreType.DMA] * _NBUF),
            pltpu.SemaphoreType.DMA,
        ],
    )
    def gather_kernel(tab_hbm, idx_hbm, out_hbm, idx_v, *bufs_sems):
        rows = bufs_sems[:_NBUF]
        sems = bufs_sems[_NBUF:2 * _NBUF]
        isem = bufs_sems[2 * _NBUF]
        tab = tab_hbm
        wid = jax.lax.axis_index("s") * _NC + jax.lax.axis_index("c")
        base = wid * b_per_w
        pltpu.async_copy(idx_hbm.at[pl.ds(base, b_per_w)], idx_v, isem).wait()

        @pl.loop(0, n_groups)
        def _(t):
            g0 = t * (window * _NBUF)
            for b in range(_NBUF):
                off = g0 + b * window
                pltpu.async_copy(
                    tab.at[idx_v.at[pl.ds(off, window)]], rows[b], sems[b]
                )
            for b in range(_NBUF):
                off = g0 + b * window
                pltpu.make_async_copy(
                    tab.at[idx_v.at[pl.ds(off, window)]], rows[b], sems[b]
                ).wait()
                pltpu.sync_copy(rows[b], out_hbm.at[pl.ds(base + off, window)])

    return gather_kernel(tables, row_idx)


def _make_mlp_body(n_fields):
    def _mlp_body(x_ref, w1_ref, b1_ref, w2_ref, b2_ref, w3_ref, b3_ref,
                  o_ref):
        xm = jnp.concatenate(
            [x_ref[f] for f in range(n_fields)], axis=1
        ).astype(jnp.bfloat16)
        h = jnp.dot(xm, w1_ref[...], preferred_element_type=jnp.float32)
        h = jnp.maximum(h + b1_ref[...], 0.0).astype(jnp.bfloat16)
        h = jnp.dot(h, w2_ref[...], preferred_element_type=jnp.float32)
        h = jnp.maximum(h + b2_ref[...], 0.0).astype(jnp.bfloat16)
        z = jnp.dot(h, w3_ref[...], preferred_element_type=jnp.float32)
        o_ref[...] = jax.nn.sigmoid(z + b3_ref[...])

    return _mlp_body


def _tc_mlp(xfm, W1, b1, W2, b2, W3, b3, block_b=512):
    n_fields, bsz, d = xfm.shape
    hdim = W2.shape[0]
    assert bsz % block_b == 0
    grid = (bsz // block_b,)
    full = lambda shape: pl.BlockSpec(shape, lambda i: (0,) * len(shape))
    return pl.pallas_call(
        _make_mlp_body(n_fields),
        grid=grid,
        in_specs=[
            pl.BlockSpec((n_fields, block_b, d), lambda i: (0, i, 0)),
            full((n_fields * d, hdim)),
            full((1, hdim)),
            full((hdim, hdim)),
            full((1, hdim)),
            full((hdim, 1)),
            full((1, 1)),
        ],
        out_specs=pl.BlockSpec((block_b, 1), lambda i: (i, 0)),
        out_shape=jax.ShapeDtypeStruct((bsz, 1), jnp.float32),
    )(xfm, W1, b1, W2, b2, W3, b3)


def kernel(indices, tables, W1, b1, W2, b2, W3, b3):
    B, F = indices.shape
    _, V, D = tables.shape
    n_chunks = 2
    bc = B // n_chunks
    offsets = (jnp.arange(F, dtype=jnp.int32) * V)[None, :]
    src = tables[:, :, None, :].reshape(F * V, 1, D)
    w1 = W1.astype(jnp.bfloat16)
    w2 = W2.astype(jnp.bfloat16)
    w3 = W3.astype(jnp.bfloat16)
    b1r, b2r, b3r = b1.reshape(1, -1), b2.reshape(1, -1), b3.reshape(1, 1)
    outs = []
    for c in range(n_chunks):
        idx_c = indices[c * bc:(c + 1) * bc]
        flat_idx = ((idx_c + offsets).T).reshape(bc * F)
        x = _sc_gather(src, flat_idx, bc * F, F * V, D)
        xfm = x.reshape(F, bc, D)
        outs.append(_tc_mlp(xfm, w1, b1r, w2, b2r, w3, b3r))
    return jnp.concatenate(outs, axis=0)

# --- scband reference (transcript-rebuilt; emitter-appended) ---
"""Pipeline reference for scband-simple-embedding-model-4037269259028 (READ-ONLY COPY).

The authoritative reference and input builder live on the scoring server;
editing this copy changes nothing except your own understanding.
"""

import jax, jax.numpy as jnp
import numpy as np

F = 26      # n_sparse_fields
V = 100000  # vocab per field
D = 32      # embed_dim
B = 16384   # batch
H = 128     # hidden_dim


def setup_inputs(seed: int = 0) -> dict:
    key = jax.random.key(seed)
    ks = jax.random.split(key, 8)
    indices = jax.random.randint(ks[0], (B, F), 0, V, dtype=jnp.int32)
    tables = jax.random.normal(ks[1], (F, V, D), dtype=jnp.float32) * 0.02
    W1 = jax.random.normal(ks[2], (F * D, H), dtype=jnp.float32) * 0.02
    b1 = jnp.zeros((H,), dtype=jnp.float32)
    W2 = jax.random.normal(ks[3], (H, H), dtype=jnp.float32) * 0.02
    b2 = jnp.zeros((H,), dtype=jnp.float32)
    W3 = jax.random.normal(ks[4], (H, 1), dtype=jnp.float32) * 0.02
    b3 = jnp.zeros((1,), dtype=jnp.float32)
    return {"indices": indices, "tables": tables, "W1": W1, "b1": b1,
            "W2": W2, "b2": b2, "W3": W3, "b3": b3}


def reference(indices, tables, W1, b1, W2, b2, W3, b3):
    # Per-field embedding lookup (nn.Embedding per key), then concat along feature dim.
    f_idx = jnp.arange(F)[None, :]             # [1, F]
    emb = tables[f_idx, indices]               # [B, F, D] gather
    x = emb.reshape(indices.shape[0], F * D)   # concat of per-key embeddings
    # MLP: Linear -> ReLU -> (Dropout p=0 is identity) -> Linear -> ReLU -> Linear -> Sigmoid
    h = jax.nn.relu(x @ W1 + b1)
    h = jax.nn.relu(h @ W2 + b2)
    out = jax.nn.sigmoid(h @ W3 + b3)
    return out

if __name__ == "__main__":
    import jax
    _d = setup_inputs()
    print(jax.jit(kernel)(*tuple(_d.values())))

</pallas_src>

<mosaic_0001>
#map = affine_map<(d0, d1) -> (0, 0, 0)>
#map1 = affine_map<(d0, d1) -> (0)>
module attributes {stable_mosaic.version = 14 : i64} {
  func.func @gather_kernel(%arg0: i32, %arg1: i32, %arg2: memref<2600000x1x32xf32, #tpu.memory_space<hbm>>, %arg3: memref<212992xi32, #tpu.memory_space<hbm>>, %arg4: memref<212992x1x32xf32, #tpu.memory_space<hbm>>, %arg5: memref<6656xi32, #tpu.memory_space<vmem>>, %arg6: memref<128x1x32xf32, #tpu.memory_space<vmem>>, %arg7: memref<128x1x32xf32, #tpu.memory_space<vmem>>, %arg8: memref<128x1x32xf32, #tpu.memory_space<vmem>>, %arg9: memref<128x1x32xf32, #tpu.memory_space<vmem>>, %arg10: memref<!tpu.dma_semaphore, #tpu.memory_space<semaphore_mem>>, %arg11: memref<!tpu.dma_semaphore, #tpu.memory_space<semaphore_mem>>, %arg12: memref<!tpu.dma_semaphore, #tpu.memory_space<semaphore_mem>>, %arg13: memref<!tpu.dma_semaphore, #tpu.memory_space<semaphore_mem>>, %arg14: memref<!tpu.dma_semaphore, #tpu.memory_space<semaphore_mem>>) attributes {dimension_semantics = [#tpu.dimension_semantics<core_parallel>, #tpu.dimension_semantics<subcore_parallel>], iteration_bounds = array<i64: 2, 16>, scalar_prefetch = 0 : i64, scratch_operands = 10 : i64, tpu.core_type = #tpu.core_type<sc_vector_subcore>, window_params = [{transform_indices = #map}, {transform_indices = #map1}, {transform_indices = #map}]} {
    %mul3A = arith.constant 2 : i32
    %mul3A_0 = arith.muli %arg1, %mul3A : i32
    %add3A = arith.addi %mul3A_0, %arg0 : i32
    %mul3A_1 = arith.constant 6656 : i32
    %mul3A_2 = arith.muli %add3A, %mul3A_1 : i32
    %dma_start3A = tpu.memref_slice %arg3[%mul3A_2] : memref<212992xi32, #tpu.memory_space<hbm>> -> memref<6656xi32, #tpu.memory_space<hbm>>
    %dma_start3A_3 = tpu.memref_slice %arg3[%mul3A_2] : memref<212992xi32, #tpu.memory_space<hbm>> -> memref<6656xi32, #tpu.memory_space<hbm>>
    tpu.enqueue_dma source(%dma_start3A_3 : memref<6656xi32, #tpu.memory_space<hbm>>) target(%arg5 : memref<6656xi32, #tpu.memory_space<vmem>>) target_semaphore(%arg14 : memref<!tpu.dma_semaphore, #tpu.memory_space<semaphore_mem>>)
    %dma_wait3A = tpu.memref_slice %arg3[%mul3A_2] : memref<212992xi32, #tpu.memory_space<hbm>> -> memref<6656xi32, #tpu.memory_space<hbm>>
    %dma_wait3A_4 = tpu.memref_slice %arg3[%mul3A_2] : memref<212992xi32, #tpu.memory_space<hbm>> -> memref<6656xi32, #tpu.memory_space<hbm>>
    tpu.wait_dma2 semaphore(%arg14 : memref<!tpu.dma_semaphore, #tpu.memory_space<semaphore_mem>>) src(%dma_wait3A_4 : memref<6656xi32, #tpu.memory_space<hbm>>) dst(%arg5 : memref<6656xi32, #tpu.memory_space<vmem>>)
    %scan3A = arith.constant 0 : i32
    %scan3A_5 = arith.constant 13 : i32
    %scan3A_6 = arith.addi %scan3A, %scan3A_5 : i32
    %scan3A_7 = arith.constant 1 : i32
    scf.for %scan3A_9 = %scan3A to %scan3A_6 step %scan3A_7  : i32 {
      %mul3A_10 = arith.constant 1 : i32
      %mul3A_11 = arith.muli %scan3A_9, %mul3A_10 : i32
      %add3A_12 = arith.constant 0 : i32
      %add3A_13 = arith.addi %add3A_12, %mul3A_11 : i32
      %mul3A_14 = arith.constant 512 : i32
      %mul3A_15 = arith.muli %add3A_13, %mul3A_14 : i32
      %add3A_16 = arith.constant 0 : i32
      %add3A_17 = arith.addi %mul3A_15, %add3A_16 : i32
      %dma_start3A_18 = tpu.memref_slice %arg5[%add3A_17] : memref<6656xi32, #tpu.memory_space<vmem>> -> memref<128xi32, #tpu.memory_space<vmem>>
      %dma_start3A_19 = arith.constant 0 : i32
      %dma_start3A_20 = arith.constant 0 : i32
      %dma_start3A_21 = arith.constant 0 : i32
      %dma_start3A_22 = tpu.memref_slice %arg2[%dma_start3A_19, %dma_start3A_20, %dma_start3A_21] : memref<2600000x1x32xf32, #tpu.memory_space<hbm>> -> memref<2600000x1x32xf32, #tpu.memory_space<hbm>>
      tpu.enqueue_indirect_dma source(%dma_start3A_22 : memref<2600000x1x32xf32, #tpu.memory_space<hbm>>) target(%arg6 : memref<128x1x32xf32, #tpu.memory_space<vmem>>) offsets(%dma_start3A_18 : memref<128xi32, #tpu.memory_space<vmem>>) semaphore(%arg10 : memref<!tpu.dma_semaphore, #tpu.memory_space<semaphore_mem>>)
      %add3A_23 = arith.constant 128 : i32
      %add3A_24 = arith.addi %mul3A_15, %add3A_23 : i32
      %dma_start3A_25 = tpu.memref_slice %arg5[%add3A_24] : memref<6656xi32, #tpu.memory_space<vmem>> -> memref<128xi32, #tpu.memory_space<vmem>>
      %dma_start3A_26 = arith.constant 0 : i32
      %dma_start3A_27 = arith.constant 0 : i32
      %dma_start3A_28 = arith.constant 0 : i32
      %dma_start3A_29 = tpu.memref_slice %arg2[%dma_start3A_26, %dma_start3A_27, %dma_start3A_28] : memref<2600000x1x32xf32, #tpu.memory_space<hbm>> -> memref<2600000x1x32xf32, #tpu.memory_space<hbm>>
      tpu.enqueue_indirect_dma source(%dma_start3A_29 : memref<2600000x1x32xf32, #tpu.memory_space<hbm>>) target(%arg7 : memref<128x1x32xf32, #tpu.memory_space<vmem>>) offsets(%dma_start3A_25 : memref<128xi32, #tpu.memory_space<vmem>>) semaphore(%arg11 : memref<!tpu.dma_semaphore, #tpu.memory_space<semaphore_mem>>)
      %add3A_30 = arith.constant 256 : i32
      %add3A_31 = arith.addi %mul3A_15, %add3A_30 : i32
      %dma_start3A_32 = tpu.memref_slice %arg5[%add3A_31] : memref<6656xi32, #tpu.memory_space<vmem>> -> memref<128xi32, #tpu.memory_space<vmem>>
      %dma_start3A_33 = arith.constant 0 : i32
      %dma_start3A_34 = arith.constant 0 : i32
      %dma_start3A_35 = arith.constant 0 : i32
      %dma_start3A_36 = tpu.memref_slice %arg2[%dma_start3A_33, %dma_start3A_34, %dma_start3A_35] : memref<2600000x1x32xf32, #tpu.memory_space<hbm>> -> memref<2600000x1x32xf32, #tpu.memory_space<hbm>>
      tpu.enqueue_indirect_dma source(%dma_start3A_36 : memref<2600000x1x32xf32, #tpu.memory_space<hbm>>) target(%arg8 : memref<128x1x32xf32, #tpu.memory_space<vmem>>) offsets(%dma_start3A_32 : memref<128xi32, #tpu.memory_space<vmem>>) semaphore(%arg12 : memref<!tpu.dma_semaphore, #tpu.memory_space<semaphore_mem>>)
      %add3A_37 = arith.constant 384 : i32
      %add3A_38 = arith.addi %mul3A_15, %add3A_37 : i32
      %dma_start3A_39 = tpu.memref_slice %arg5[%add3A_38] : memref<6656xi32, #tpu.memory_space<vmem>> -> memref<128xi32, #tpu.memory_space<vmem>>
      %dma_start3A_40 = arith.constant 0 : i32
      %dma_start3A_41 = arith.constant 0 : i32
      %dma_start3A_42 = arith.constant 0 : i32
      %dma_start3A_43 = tpu.memref_slice %arg2[%dma_start3A_40, %dma_start3A_41, %dma_start3A_42] : memref<2600000x1x32xf32, #tpu.memory_space<hbm>> -> memref<2600000x1x32xf32, #tpu.memory_space<hbm>>
      tpu.enqueue_indirect_dma source(%dma_start3A_43 : memref<2600000x1x32xf32, #tpu.memory_space<hbm>>) target(%arg9 : memref<128x1x32xf32, #tpu.memory_space<vmem>>) offsets(%dma_start3A_39 : memref<128xi32, #tpu.memory_space<vmem>>) semaphore(%arg13 : memref<!tpu.dma_semaphore, #tpu.memory_space<semaphore_mem>>)
      %add3A_44 = arith.constant 0 : i32
      %add3A_45 = arith.addi %mul3A_15, %add3A_44 : i32
      %dma_wait3A_46 = tpu.memref_slice %arg5[%add3A_45] : memref<6656xi32, #tpu.memory_space<vmem>> -> memref<128xi32, #tpu.memory_space<vmem>>
      %dma_wait3A_47 = arith.constant 0 : i32
      %dma_wait3A_48 = arith.constant 0 : i32
      %dma_wait3A_49 = arith.constant 0 : i32
      %dma_wait3A_50 = tpu.memref_slice %arg2[%dma_wait3A_47, %dma_wait3A_48, %dma_wait3A_49] : memref<2600000x1x32xf32, #tpu.memory_space<hbm>> -> memref<2600000x1x32xf32, #tpu.memory_space<hbm>>
      tpu.wait_indirect_dma semaphore(%arg10 : memref<!tpu.dma_semaphore, #tpu.memory_space<semaphore_mem>>) src(%dma_wait3A_50 : memref<2600000x1x32xf32, #tpu.memory_space<hbm>>) dst(%arg6 : memref<128x1x32xf32, #tpu.memory_space<vmem>>)
      %add3A_51 = arith.addi %mul3A_2, %add3A_45 : i32
      "tpu.region"() ({
        %run_scoped3A = tpu.sem_alloc : memref<!tpu.dma_semaphore, #tpu.memory_space<semaphore_mem>>
        %dma_start3A_76 = arith.constant 0 : i32
        %dma_start3A_77 = arith.constant 0 : i32
        %dma_start3A_78 = tpu.memref_slice %arg4[%add3A_51, %dma_start3A_76, %dma_start3A_77] : memref<212992x1x32xf32, #tpu.memory_space<hbm>> -> memref<128x1x32xf32, #tpu.memory_space<hbm>>
        %dma_start3A_79 = arith.constant 0 : i32
        %dma_start3A_80 = arith.constant 0 : i32
        %dma_start3A_81 = tpu.memref_slice %arg4[%add3A_51, %dma_start3A_79, %dma_start3A_80] : memref<212992x1x32xf32, #tpu.memory_space<hbm>> -> memref<128x1x32xf32, #tpu.memory_space<hbm>>
        tpu.enqueue_dma source(%arg6 : memref<128x1x32xf32, #tpu.memory_space<vmem>>) target(%dma_start3A_81 : memref<128x1x32xf32, #tpu.memory_space<hbm>>) target_semaphore(%run_scoped3A : memref<!tpu.dma_semaphore, #tpu.memory_space<semaphore_mem>>)
        %dma_wait3A_82 = arith.constant 0 : i32
        %dma_wait3A_83 = arith.constant 0 : i32
        %dma_wait3A_84 = tpu.memref_slice %arg4[%add3A_51, %dma_wait3A_82, %dma_wait3A_83] : memref<212992x1x32xf32, #tpu.memory_space<hbm>> -> memref<128x1x32xf32, #tpu.memory_space<hbm>>
        %dma_wait3A_85 = arith.constant 0 : i32
        %dma_wait3A_86 = arith.constant 0 : i32
        %dma_wait3A_87 = tpu.memref_slice %arg4[%add3A_51, %dma_wait3A_85, %dma_wait3A_86] : memref<212992x1x32xf32, #tpu.memory_space<hbm>> -> memref<128x1x32xf32, #tpu.memory_space<hbm>>
        tpu.wait_dma2 semaphore(%run_scoped3A : memref<!tpu.dma_semaphore, #tpu.memory_space<semaphore_mem>>) src(%arg6 : memref<128x1x32xf32, #tpu.memory_space<vmem>>) dst(%dma_wait3A_87 : memref<128x1x32xf32, #tpu.memory_space<hbm>>)
        tpu.yield
      }) : () -> ()
      %add3A_52 = arith.constant 128 : i32
      %add3A_53 = arith.addi %mul3A_15, %add3A_52 : i32
      %dma_wait3A_54 = tpu.memref_slice %arg5[%add3A_53] : memref<6656xi32, #tpu.memory_space<vmem>> -> memref<128xi32, #tpu.memory_space<vmem>>
      %dma_wait3A_55 = arith.constant 0 : i32
      %dma_wait3A_56 = arith.constant 0 : i32
      %dma_wait3A_57 = arith.constant 0 : i32
      %dma_wait3A_58 = tpu.memref_slice %arg2[%dma_wait3A_55, %dma_wait3A_56, %dma_wait3A_57] : memref<2600000x1x32xf32, #tpu.memory_space<hbm>> -> memref<2600000x1x32xf32, #tpu.memory_space<hbm>>
      tpu.wait_indirect_dma semaphore(%arg11 : memref<!tpu.dma_semaphore, #tpu.memory_space<semaphore_mem>>) src(%dma_wait3A_58 : memref<2600000x1x32xf32, #tpu.memory_space<hbm>>) dst(%arg7 : memref<128x1x32xf32, #tpu.memory_space<vmem>>)
      %add3A_59 = arith.addi %mul3A_2, %add3A_53 : i32
      "tpu.region"() ({
        %run_scoped3A = tpu.sem_alloc : memref<!tpu.dma_semaphore, #tpu.memory_space<semaphore_mem>>
        %dma_start3A_76 = arith.constant 0 : i32
        %dma_start3A_77 = arith.constant 0 : i32
        %dma_start3A_78 = tpu.memref_slice %arg4[%add3A_59, %dma_start3A_76, %dma_start3A_77] : memref<212992x1x32xf32, #tpu.memory_space<hbm>> -> memref<128x1x32xf32, #tpu.memory_space<hbm>>
        %dma_start3A_79 = arith.constant 0 : i32
        %dma_start3A_80 = arith.constant 0 : i32
        %dma_start3A_81 = tpu.memref_slice %arg4[%add3A_59, %dma_start3A_79, %dma_start3A_80] : memref<212992x1x32xf32, #tpu.memory_space<hbm>> -> memref<128x1x32xf32, #tpu.memory_space<hbm>>
        tpu.enqueue_dma source(%arg7 : memref<128x1x32xf32, #tpu.memory_space<vmem>>) target(%dma_start3A_81 : memref<128x1x32xf32, #tpu.memory_space<hbm>>) target_semaphore(%run_scoped3A : memref<!tpu.dma_semaphore, #tpu.memory_space<semaphore_mem>>)
        %dma_wait3A_82 = arith.constant 0 : i32
        %dma_wait3A_83 = arith.constant 0 : i32
        %dma_wait3A_84 = tpu.memref_slice %arg4[%add3A_59, %dma_wait3A_82, %dma_wait3A_83] : memref<212992x1x32xf32, #tpu.memory_space<hbm>> -> memref<128x1x32xf32, #tpu.memory_space<hbm>>
        %dma_wait3A_85 = arith.constant 0 : i32
        %dma_wait3A_86 = arith.constant 0 : i32
        %dma_wait3A_87 = tpu.memref_slice %arg4[%add3A_59, %dma_wait3A_85, %dma_wait3A_86] : memref<212992x1x32xf32, #tpu.memory_space<hbm>> -> memref<128x1x32xf32, #tpu.memory_space<hbm>>
        tpu.wait_dma2 semaphore(%run_scoped3A : memref<!tpu.dma_semaphore, #tpu.memory_space<semaphore_mem>>) src(%arg7 : memref<128x1x32xf32, #tpu.memory_space<vmem>>) dst(%dma_wait3A_87 : memref<128x1x32xf32, #tpu.memory_space<hbm>>)
        tpu.yield
      }) : () -> ()
      %add3A_60 = arith.constant 256 : i32
      %add3A_61 = arith.addi %mul3A_15, %add3A_60 : i32
      %dma_wait3A_62 = tpu.memref_slice %arg5[%add3A_61] : memref<6656xi32, #tpu.memory_space<vmem>> -> memref<128xi32, #tpu.memory_space<vmem>>
      %dma_wait3A_63 = arith.constant 0 : i32
      %dma_wait3A_64 = arith.constant 0 : i32
      %dma_wait3A_65 = arith.constant 0 : i32
      %dma_wait3A_66 = tpu.memref_slice %arg2[%dma_wait3A_63, %dma_wait3A_64, %dma_wait3A_65] : memref<2600000x1x32xf32, #tpu.memory_space<hbm>> -> memref<2600000x1x32xf32, #tpu.memory_space<hbm>>
      tpu.wait_indirect_dma semaphore(%arg12 : memref<!tpu.dma_semaphore, #tpu.memory_space<semaphore_mem>>) src(%dma_wait3A_66 : memref<2600000x1x32xf32, #tpu.memory_space<hbm>>) dst(%arg8 : memref<128x1x32xf32, #tpu.memory_space<vmem>>)
      %add3A_67 = arith.addi %mul3A_2, %add3A_61 : i32
      "tpu.region"() ({
        %run_scoped3A = tpu.sem_alloc : memref<!tpu.dma_semaphore, #tpu.memory_space<semaphore_mem>>
        %dma_start3A_76 = arith.constant 0 : i32
        %dma_start3A_77 = arith.constant 0 : i32
        %dma_start3A_78 = tpu.memref_slice %arg4[%add3A_67, %dma_start3A_76, %dma_start3A_77] : memref<212992x1x32xf32, #tpu.memory_space<hbm>> -> memref<128x1x32xf32, #tpu.memory_space<hbm>>
        %dma_start3A_79 = arith.constant 0 : i32
        %dma_start3A_80 = arith.constant 0 : i32
        %dma_start3A_81 = tpu.memref_slice %arg4[%add3A_67, %dma_start3A_79, %dma_start3A_80] : memref<212992x1x32xf32, #tpu.memory_space<hbm>> -> memref<128x1x32xf32, #tpu.memory_space<hbm>>
        tpu.enqueue_dma source(%arg8 : memref<128x1x32xf32, #tpu.memory_space<vmem>>) target(%dma_start3A_81 : memref<128x1x32xf32, #tpu.memory_space<hbm>>) target_semaphore(%run_scoped3A : memref<!tpu.dma_semaphore, #tpu.memory_space<semaphore_mem>>)
        %dma_wait3A_82 = arith.constant 0 : i32
        %dma_wait3A_83 = arith.constant 0 : i32
        %dma_wait3A_84 = tpu.memref_slice %arg4[%add3A_67, %dma_wait3A_82, %dma_wait3A_83] : memref<212992x1x32xf32, #tpu.memory_space<hbm>> -> memref<128x1x32xf32, #tpu.memory_space<hbm>>
        %dma_wait3A_85 = arith.constant 0 : i32
        %dma_wait3A_86 = arith.constant 0 : i32
        %dma_wait3A_87 = tpu.memref_slice %arg4[%add3A_67, %dma_wait3A_85, %dma_wait3A_86] : memref<212992x1x32xf32, #tpu.memory_space<hbm>> -> memref<128x1x32xf32, #tpu.memory_space<hbm>>
        tpu.wait_dma2 semaphore(%run_scoped3A : memref<!tpu.dma_semaphore, #tpu.memory_space<semaphore_mem>>) src(%arg8 : memref<128x1x32xf32, #tpu.memory_space<vmem>>) dst(%dma_wait3A_87 : memref<128x1x32xf32, #tpu.memory_space<hbm>>)
        tpu.yield
      }) : () -> ()
      %add3A_68 = arith.constant 384 : i32
      %add3A_69 = arith.addi %mul3A_15, %add3A_68 : i32
      %dma_wait3A_70 = tpu.memref_slice %arg5[%add3A_69] : memref<6656xi32, #tpu.memory_space<vmem>> -> memref<128xi32, #tpu.memory_space<vmem>>
      %dma_wait3A_71 = arith.constant 0 : i32
      %dma_wait3A_72 = arith.constant 0 : i32
      %dma_wait3A_73 = arith.constant 0 : i32
      %dma_wait3A_74 = tpu.memref_slice %arg2[%dma_wait3A_71, %dma_wait3A_72, %dma_wait3A_73] : memref<2600000x1x32xf32, #tpu.memory_space<hbm>> -> memref<2600000x1x32xf32, #tpu.memory_space<hbm>>
      tpu.wait_indirect_dma semaphore(%arg13 : memref<!tpu.dma_semaphore, #tpu.memory_space<semaphore_mem>>) src(%dma_wait3A_74 : memref<2600000x1x32xf32, #tpu.memory_space<hbm>>) dst(%arg9 : memref<128x1x32xf32, #tpu.memory_space<vmem>>)
      %add3A_75 = arith.addi %mul3A_2, %add3A_69 : i32
      "tpu.region"() ({
        %run_scoped3A = tpu.sem_alloc : memref<!tpu.dma_semaphore, #tpu.memory_space<semaphore_mem>>
        %dma_start3A_76 = arith.constant 0 : i32
        %dma_start3A_77 = arith.constant 0 : i32
        %dma_start3A_78 = tpu.memref_slice %arg4[%add3A_75, %dma_start3A_76, %dma_start3A_77] : memref<212992x1x32xf32, #tpu.memory_space<hbm>> -> memref<128x1x32xf32, #tpu.memory_space<hbm>>
        %dma_start3A_79 = arith.constant 0 : i32
        %dma_start3A_80 = arith.constant 0 : i32
        %dma_start3A_81 = tpu.memref_slice %arg4[%add3A_75, %dma_start3A_79, %dma_start3A_80] : memref<212992x1x32xf32, #tpu.memory_space<hbm>> -> memref<128x1x32xf32, #tpu.memory_space<hbm>>
        tpu.enqueue_dma source(%arg9 : memref<128x1x32xf32, #tpu.memory_space<vmem>>) target(%dma_start3A_81 : memref<128x1x32xf32, #tpu.memory_space<hbm>>) target_semaphore(%run_scoped3A : memref<!tpu.dma_semaphore, #tpu.memory_space<semaphore_mem>>)
        %dma_wait3A_82 = arith.constant 0 : i32
        %dma_wait3A_83 = arith.constant 0 : i32
        %dma_wait3A_84 = tpu.memref_slice %arg4[%add3A_75, %dma_wait3A_82, %dma_wait3A_83] : memref<212992x1x32xf32, #tpu.memory_space<hbm>> -> memref<128x1x32xf32, #tpu.memory_space<hbm>>
        %dma_wait3A_85 = arith.constant 0 : i32
        %dma_wait3A_86 = arith.constant 0 : i32
        %dma_wait3A_87 = tpu.memref_slice %arg4[%add3A_75, %dma_wait3A_85, %dma_wait3A_86] : memref<212992x1x32xf32, #tpu.memory_space<hbm>> -> memref<128x1x32xf32, #tpu.memory_space<hbm>>
        tpu.wait_dma2 semaphore(%run_scoped3A : memref<!tpu.dma_semaphore, #tpu.memory_space<semaphore_mem>>) src(%arg9 : memref<128x1x32xf32, #tpu.memory_space<vmem>>) dst(%dma_wait3A_87 : memref<128x1x32xf32, #tpu.memory_space<hbm>>)
        tpu.yield
      }) : () -> ()
    }
    %scan3A_8 = arith.constant 13 : i32
    return
  }
}

#map = affine_map<(d0, d1) -> (0, 0, 0)>
#map1 = affine_map<(d0, d1) -> (0)>
module attributes {stable_mosaic.version = 14 : i64} {
  func.func @gather_kernel(%arg0: i32, %arg1: i32, %arg2: memref<2600000x1x32xf32, #tpu.memory_space<hbm>>, %arg3: memref<212992xi32, #tpu.memory_space<hbm>>, %arg4: memref<212992x1x32xf32, #tpu.memory_space<hbm>>, %arg5: memref<6656xi32, #tpu.memory_space<vmem>>, %arg6: memref<128x1x32xf32, #tpu.memory_space<vmem>>, %arg7: memref<128x1x32xf32, #tpu.memory_space<vmem>>, %arg8: memref<128x1x32xf32, #tpu.memory_space<vmem>>, %arg9: memref<128x1x32xf32, #tpu.memory_space<vmem>>, %arg10: memref<!tpu.dma_semaphore, #tpu.memory_space<semaphore_mem>>, %arg11: memref<!tpu.dma_semaphore, #tpu.memory_space<semaphore_mem>>, %arg12: memref<!tpu.dma_semaphore, #tpu.memory_space<semaphore_mem>>, %arg13: memref<!tpu.dma_semaphore, #tpu.memory_space<semaphore_mem>>, %arg14: memref<!tpu.dma_semaphore, #tpu.memory_space<semaphore_mem>>) attributes {dimension_semantics = [#tpu.dimension_semantics<core_parallel>, #tpu.dimension_semantics<subcore_parallel>], iteration_bounds = array<i64: 2, 16>, scalar_prefetch = 0 : i64, scratch_operands = 10 : i64, tpu.core_type = #tpu.core_type<sc_vector_subcore>, window_params = [{transform_indices = #map}, {transform_indices = #map1}, {transform_indices = #map}]} {
    %mul3A = arith.constant 2 : i32
    %mul3A_0 = arith.muli %arg1, %mul3A : i32
    %add3A = arith.addi %mul3A_0, %arg0 : i32
    %mul3A_1 = arith.constant 6656 : i32
    %mul3A_2 = arith.muli %add3A, %mul3A_1 : i32
    %dma_start3A = tpu.memref_slice %arg3[%mul3A_2] : memref<212992xi32, #tpu.memory_space<hbm>> -> memref<6656xi32, #tpu.memory_space<hbm>>
    %dma_start3A_3 = tpu.memref_slice %arg3[%mul3A_2] : memref<212992xi32, #tpu.memory_space<hbm>> -> memref<6656xi32, #tpu.memory_space<hbm>>
    tpu.enqueue_dma source(%dma_start3A_3 : memref<6656xi32, #tpu.memory_space<hbm>>) target(%arg5 : memref<6656xi32, #tpu.memory_space<vmem>>) target_semaphore(%arg14 : memref<!tpu.dma_semaphore, #tpu.memory_space<semaphore_mem>>)
    %dma_wait3A = tpu.memref_slice %arg3[%mul3A_2] : memref<212992xi32, #tpu.memory_space<hbm>> -> memref<6656xi32, #tpu.memory_space<hbm>>
    %dma_wait3A_4 = tpu.memref_slice %arg3[%mul3A_2] : memref<212992xi32, #tpu.memory_space<hbm>> -> memref<6656xi32, #tpu.memory_space<hbm>>
    tpu.wait_dma2 semaphore(%arg14 : memref<!tpu.dma_semaphore, #tpu.memory_space<semaphore_mem>>) src(%dma_wait3A_4 : memref<6656xi32, #tpu.memory_space<hbm>>) dst(%arg5 : memref<6656xi32, #tpu.memory_space<vmem>>)
    %scan3A = arith.constant 0 : i32
    %scan3A_5 = arith.constant 13 : i32
    %scan3A_6 = arith.addi %scan3A, %scan3A_5 : i32
    %scan3A_7 = arith.constant 1 : i32
    scf.for %scan3A_9 = %scan3A to %scan3A_6 step %scan3A_7  : i32 {
      %mul3A_10 = arith.constant 1 : i32
      %mul3A_11 = arith.muli %scan3A_9, %mul3A_10 : i32
      %add3A_12 = arith.constant 0 : i32
      %add3A_13 = arith.addi %add3A_12, %mul3A_11 : i32
      %mul3A_14 = arith.constant 512 : i32
      %mul3A_15 = arith.muli %add3A_13, %mul3A_14 : i32
      %add3A_16 = arith.constant 0 : i32
      %add3A_17 = arith.addi %mul3A_15, %add3A_16 : i32
      %dma_start3A_18 = tpu.memref_slice %arg5[%add3A_17] : memref<6656xi32, #tpu.memory_space<vmem>> -> memref<128xi32, #tpu.memory_space<vmem>>
      %dma_start3A_19 = arith.constant 0 : i32
      %dma_start3A_20 = arith.constant 0 : i32
      %dma_start3A_21 = arith.constant 0 : i32
      %dma_start3A_22 = tpu.memref_slice %arg2[%dma_start3A_19, %dma_start3A_20, %dma_start3A_21] : memref<2600000x1x32xf32, #tpu.memory_space<hbm>> -> memref<2600000x1x32xf32, #tpu.memory_space<hbm>>
      tpu.enqueue_indirect_dma source(%dma_start3A_22 : memref<2600000x1x32xf32, #tpu.memory_space<hbm>>) target(%arg6 : memref<128x1x32xf32, #tpu.memory_space<vmem>>) offsets(%dma_start3A_18 : memref<128xi32, #tpu.memory_space<vmem>>) semaphore(%arg10 : memref<!tpu.dma_semaphore, #tpu.memory_space<semaphore_mem>>)
      %add3A_23 = arith.constant 128 : i32
      %add3A_24 = arith.addi %mul3A_15, %add3A_23 : i32
      %dma_start3A_25 = tpu.memref_slice %arg5[%add3A_24] : memref<6656xi32, #tpu.memory_space<vmem>> -> memref<128xi32, #tpu.memory_space<vmem>>
      %dma_start3A_26 = arith.constant 0 : i32
      %dma_start3A_27 = arith.constant 0 : i32
      %dma_start3A_28 = arith.constant 0 : i32
      %dma_start3A_29 = tpu.memref_slice %arg2[%dma_start3A_26, %dma_start3A_27, %dma_start3A_28] : memref<2600000x1x32xf32, #tpu.memory_space<hbm>> -> memref<2600000x1x32xf32, #tpu.memory_space<hbm>>
      tpu.enqueue_indirect_dma source(%dma_start3A_29 : memref<2600000x1x32xf32, #tpu.memory_space<hbm>>) target(%arg7 : memref<128x1x32xf32, #tpu.memory_space<vmem>>) offsets(%dma_start3A_25 : memref<128xi32, #tpu.memory_space<vmem>>) semaphore(%arg11 : memref<!tpu.dma_semaphore, #tpu.memory_space<semaphore_mem>>)
      %add3A_30 = arith.constant 256 : i32
      %add3A_31 = arith.addi %mul3A_15, %add3A_30 : i32
      %dma_start3A_32 = tpu.memref_slice %arg5[%add3A_31] : memref<6656xi32, #tpu.memory_space<vmem>> -> memref<128xi32, #tpu.memory_space<vmem>>
      %dma_start3A_33 = arith.constant 0 : i32
      %dma_start3A_34 = arith.constant 0 : i32
      %dma_start3A_35 = arith.constant 0 : i32
      %dma_start3A_36 = tpu.memref_slice %arg2[%dma_start3A_33, %dma_start3A_34, %dma_start3A_35] : memref<2600000x1x32xf32, #tpu.memory_space<hbm>> -> memref<2600000x1x32xf32, #tpu.memory_space<hbm>>
      tpu.enqueue_indirect_dma source(%dma_start3A_36 : memref<2600000x1x32xf32, #tpu.memory_space<hbm>>) target(%arg8 : memref<128x1x32xf32, #tpu.memory_space<vmem>>) offsets(%dma_start3A_32 : memref<128xi32, #tpu.memory_space<vmem>>) semaphore(%arg12 : memref<!tpu.dma_semaphore, #tpu.memory_space<semaphore_mem>>)
      %add3A_37 = arith.constant 384 : i32
      %add3A_38 = arith.addi %mul3A_15, %add3A_37 : i32
      %dma_start3A_39 = tpu.memref_slice %arg5[%add3A_38] : memref<6656xi32, #tpu.memory_space<vmem>> -> memref<128xi32, #tpu.memory_space<vmem>>
      %dma_start3A_40 = arith.constant 0 : i32
      %dma_start3A_41 = arith.constant 0 : i32
      %dma_start3A_42 = arith.constant 0 : i32
      %dma_start3A_43 = tpu.memref_slice %arg2[%dma_start3A_40, %dma_start3A_41, %dma_start3A_42] : memref<2600000x1x32xf32, #tpu.memory_space<hbm>> -> memref<2600000x1x32xf32, #tpu.memory_space<hbm>>
      tpu.enqueue_indirect_dma source(%dma_start3A_43 : memref<2600000x1x32xf32, #tpu.memory_space<hbm>>) target(%arg9 : memref<128x1x32xf32, #tpu.memory_space<vmem>>) offsets(%dma_start3A_39 : memref<128xi32, #tpu.memory_space<vmem>>) semaphore(%arg13 : memref<!tpu.dma_semaphore, #tpu.memory_space<semaphore_mem>>)
      %add3A_44 = arith.constant 0 : i32
      %add3A_45 = arith.addi %mul3A_15, %add3A_44 : i32
      %dma_wait3A_46 = tpu.memref_slice %arg5[%add3A_45] : memref<6656xi32, #tpu.memory_space<vmem>> -> memref<128xi32, #tpu.memory_space<vmem>>
      %dma_wait3A_47 = arith.constant 0 : i32
      %dma_wait3A_48 = arith.constant 0 : i32
      %dma_wait3A_49 = arith.constant 0 : i32
      %dma_wait3A_50 = tpu.memref_slice %arg2[%dma_wait3A_47, %dma_wait3A_48, %dma_wait3A_49] : memref<2600000x1x32xf32, #tpu.memory_space<hbm>> -> memref<2600000x1x32xf32, #tpu.memory_space<hbm>>
      tpu.wait_indirect_dma semaphore(%arg10 : memref<!tpu.dma_semaphore, #tpu.memory_space<semaphore_mem>>) src(%dma_wait3A_50 : memref<2600000x1x32xf32, #tpu.memory_space<hbm>>) dst(%arg6 : memref<128x1x32xf32, #tpu.memory_space<vmem>>)
      %add3A_51 = arith.addi %mul3A_2, %add3A_45 : i32
      "tpu.region"() ({
        %run_scoped3A = tpu.sem_alloc : memref<!tpu.dma_semaphore, #tpu.memory_space<semaphore_mem>>
        %dma_start3A_76 = arith.constant 0 : i32
        %dma_start3A_77 = arith.constant 0 : i32
        %dma_start3A_78 = tpu.memref_slice %arg4[%add3A_51, %dma_start3A_76, %dma_start3A_77] : memref<212992x1x32xf32, #tpu.memory_space<hbm>> -> memref<128x1x32xf32, #tpu.memory_space<hbm>>
        %dma_start3A_79 = arith.constant 0 : i32
        %dma_start3A_80 = arith.constant 0 : i32
        %dma_start3A_81 = tpu.memref_slice %arg4[%add3A_51, %dma_start3A_79, %dma_start3A_80] : memref<212992x1x32xf32, #tpu.memory_space<hbm>> -> memref<128x1x32xf32, #tpu.memory_space<hbm>>
        tpu.enqueue_dma source(%arg6 : memref<128x1x32xf32, #tpu.memory_space<vmem>>) target(%dma_start3A_81 : memref<128x1x32xf32, #tpu.memory_space<hbm>>) target_semaphore(%run_scoped3A : memref<!tpu.dma_semaphore, #tpu.memory_space<semaphore_mem>>)
        %dma_wait3A_82 = arith.constant 0 : i32
        %dma_wait3A_83 = arith.constant 0 : i32
        %dma_wait3A_84 = tpu.memref_slice %arg4[%add3A_51, %dma_wait3A_82, %dma_wait3A_83] : memref<212992x1x32xf32, #tpu.memory_space<hbm>> -> memref<128x1x32xf32, #tpu.memory_space<hbm>>
        %dma_wait3A_85 = arith.constant 0 : i32
        %dma_wait3A_86 = arith.constant 0 : i32
        %dma_wait3A_87 = tpu.memref_slice %arg4[%add3A_51, %dma_wait3A_85, %dma_wait3A_86] : memref<212992x1x32xf32, #tpu.memory_space<hbm>> -> memref<128x1x32xf32, #tpu.memory_space<hbm>>
        tpu.wait_dma2 semaphore(%run_scoped3A : memref<!tpu.dma_semaphore, #tpu.memory_space<semaphore_mem>>) src(%arg6 : memref<128x1x32xf32, #tpu.memory_space<vmem>>) dst(%dma_wait3A_87 : memref<128x1x32xf32, #tpu.memory_space<hbm>>)
        tpu.yield
      }) : () -> ()
      %add3A_52 = arith.constant 128 : i32
      %add3A_53 = arith.addi %mul3A_15, %add3A_52 : i32
      %dma_wait3A_54 = tpu.memref_slice %arg5[%add3A_53] : memref<6656xi32, #tpu.memory_space<vmem>> -> memref<128xi32, #tpu.memory_space<vmem>>
      %dma_wait3A_55 = arith.constant 0 : i32
      %dma_wait3A_56 = arith.constant 0 : i32
      %dma_wait3A_57 = arith.constant 0 : i32
      %dma_wait3A_58 = tpu.memref_slice %arg2[%dma_wait3A_55, %dma_wait3A_56, %dma_wait3A_57] : memref<2600000x1x32xf32, #tpu.memory_space<hbm>> -> memref<2600000x1x32xf32, #tpu.memory_space<hbm>>
      tpu.wait_indirect_dma semaphore(%arg11 : memref<!tpu.dma_semaphore, #tpu.memory_space<semaphore_mem>>) src(%dma_wait3A_58 : memref<2600000x1x32xf32, #tpu.memory_space<hbm>>) dst(%arg7 : memref<128x1x32xf32, #tpu.memory_space<vmem>>)
      %add3A_59 = arith.addi %mul3A_2, %add3A_53 : i32
      "tpu.region"() ({
        %run_scoped3A = tpu.sem_alloc : memref<!tpu.dma_semaphore, #tpu.memory_space<semaphore_mem>>
        %dma_start3A_76 = arith.constant 0 : i32
        %dma_start3A_77 = arith.constant 0 : i32
        %dma_start3A_78 = tpu.memref_slice %arg4[%add3A_59, %dma_start3A_76, %dma_start3A_77] : memref<212992x1x32xf32, #tpu.memory_space<hbm>> -> memref<128x1x32xf32, #tpu.memory_space<hbm>>
        %dma_start3A_79 = arith.constant 0 : i32
        %dma_start3A_80 = arith.constant 0 : i32
        %dma_start3A_81 = tpu.memref_slice %arg4[%add3A_59, %dma_start3A_79, %dma_start3A_80] : memref<212992x1x32xf32, #tpu.memory_space<hbm>> -> memref<128x1x32xf32, #tpu.memory_space<hbm>>
        tpu.enqueue_dma source(%arg7 : memref<128x1x32xf32, #tpu.memory_space<vmem>>) target(%dma_start3A_81 : memref<128x1x32xf32, #tpu.memory_space<hbm>>) target_semaphore(%run_scoped3A : memref<!tpu.dma_semaphore, #tpu.memory_space<semaphore_mem>>)
        %dma_wait3A_82 = arith.constant 0 : i32
        %dma_wait3A_83 = arith.constant 0 : i32
        %dma_wait3A_84 = tpu.memref_slice %arg4[%add3A_59, %dma_wait3A_82, %dma_wait3A_83] : memref<212992x1x32xf32, #tpu.memory_space<hbm>> -> memref<128x1x32xf32, #tpu.memory_space<hbm>>
        %dma_wait3A_85 = arith.constant 0 : i32
        %dma_wait3A_86 = arith.constant 0 : i32
        %dma_wait3A_87 = tpu.memref_slice %arg4[%add3A_59, %dma_wait3A_85, %dma_wait3A_86] : memref<212992x1x32xf32, #tpu.memory_space<hbm>> -> memref<128x1x32xf32, #tpu.memory_space<hbm>>
        tpu.wait_dma2 semaphore(%run_scoped3A : memref<!tpu.dma_semaphore, #tpu.memory_space<semaphore_mem>>) src(%arg7 : memref<128x1x32xf32, #tpu.memory_space<vmem>>) dst(%dma_wait3A_87 : memref<128x1x32xf32, #tpu.memory_space<hbm>>)
        tpu.yield
      }) : () -> ()
      %add3A_60 = arith.constant 256 : i32
      %add3A_61 = arith.addi %mul3A_15, %add3A_60 : i32
      %dma_wait3A_62 = tpu.memref_slice %arg5[%add3A_61] : memref<6656xi32, #tpu.memory_space<vmem>> -> memref<128xi32, #tpu.memory_space<vmem>>
      %dma_wait3A_63 = arith.constant 0 : i32
      %dma_wait3A_64 = arith.constant 0 : i32
      %dma_wait3A_65 = arith.constant 0 : i32
      %dma_wait3A_66 = tpu.memref_slice %arg2[%dma_wait3A_63, %dma_wait3A_64, %dma_wait3A_65] : memref<2600000x1x32xf32, #tpu.memory_space<hbm>> -> memref<2600000x1x32xf32, #tpu.memory_space<hbm>>
      tpu.wait_indirect_dma semaphore(%arg12 : memref<!tpu.dma_semaphore, #tpu.memory_space<semaphore_mem>>) src(%dma_wait3A_66 : memref<2600000x1x32xf32, #tpu.memory_space<hbm>>) dst(%arg8 : memref<128x1x32xf32, #tpu.memory_space<vmem>>)
      %add3A_67 = arith.addi %mul3A_2, %add3A_61 : i32
      "tpu.region"() ({
        %run_scoped3A = tpu.sem_alloc : memref<!tpu.dma_semaphore, #tpu.memory_space<semaphore_mem>>
        %dma_start3A_76 = arith.constant 0 : i32
        %dma_start3A_77 = arith.constant 0 : i32
        %dma_start3A_78 = tpu.memref_slice %arg4[%add3A_67, %dma_start3A_76, %dma_start3A_77] : memref<212992x1x32xf32, #tpu.memory_space<hbm>> -> memref<128x1x32xf32, #tpu.memory_space<hbm>>
        %dma_start3A_79 = arith.constant 0 : i32
        %dma_start3A_80 = arith.constant 0 : i32
        %dma_start3A_81 = tpu.memref_slice %arg4[%add3A_67, %dma_start3A_79, %dma_start3A_80] : memref<212992x1x32xf32, #tpu.memory_space<hbm>> -> memref<128x1x32xf32, #tpu.memory_space<hbm>>
        tpu.enqueue_dma source(%arg8 : memref<128x1x32xf32, #tpu.memory_space<vmem>>) target(%dma_start3A_81 : memref<128x1x32xf32, #tpu.memory_space<hbm>>) target_semaphore(%run_scoped3A : memref<!tpu.dma_semaphore, #tpu.memory_space<semaphore_mem>>)
        %dma_wait3A_82 = arith.constant 0 : i32
        %dma_wait3A_83 = arith.constant 0 : i32
        %dma_wait3A_84 = tpu.memref_slice %arg4[%add3A_67, %dma_wait3A_82, %dma_wait3A_83] : memref<212992x1x32xf32, #tpu.memory_space<hbm>> -> memref<128x1x32xf32, #tpu.memory_space<hbm>>
        %dma_wait3A_85 = arith.constant 0 : i32
        %dma_wait3A_86 = arith.constant 0 : i32
        %dma_wait3A_87 = tpu.memref_slice %arg4[%add3A_67, %dma_wait3A_85, %dma_wait3A_86] : memref<212992x1x32xf32, #tpu.memory_space<hbm>> -> memref<128x1x32xf32, #tpu.memory_space<hbm>>
        tpu.wait_dma2 semaphore(%run_scoped3A : memref<!tpu.dma_semaphore, #tpu.memory_space<semaphore_mem>>) src(%arg8 : memref<128x1x32xf32, #tpu.memory_space<vmem>>) dst(%dma_wait3A_87 : memref<128x1x32xf32, #tpu.memory_space<hbm>>)
        tpu.yield
      }) : () -> ()
      %add3A_68 = arith.constant 384 : i32
      %add3A_69 = arith.addi %mul3A_15, %add3A_68 : i32
      %dma_wait3A_70 = tpu.memref_slice %arg5[%add3A_69] : memref<6656xi32, #tpu.memory_space<vmem>> -> memref<128xi32, #tpu.memory_space<vmem>>
      %dma_wait3A_71 = arith.constant 0 : i32
      %dma_wait3A_72 = arith.constant 0 : i32
      %dma_wait3A_73 = arith.constant 0 : i32
      %dma_wait3A_74 = tpu.memref_slice %arg2[%dma_wait3A_71, %dma_wait3A_72, %dma_wait3A_73] : memref<2600000x1x32xf32, #tpu.memory_space<hbm>> -> memref<2600000x1x32xf32, #tpu.memory_space<hbm>>
      tpu.wait_indirect_dma semaphore(%arg13 : memref<!tpu.dma_semaphore, #tpu.memory_space<semaphore_mem>>) src(%dma_wait3A_74 : memref<2600000x1x32xf32, #tpu.memory_space<hbm>>) dst(%arg9 : memref<128x1x32xf32, #tpu.memory_space<vmem>>)
      %add3A_75 = arith.addi %mul3A_2, %add3A_69 : i32
      "tpu.region"() ({
        %run_scoped3A = tpu.sem_alloc : memref<!tpu.dma_semaphore, #tpu.memory_space<semaphore_mem>>
        %dma_start3A_76 = arith.constant 0 : i32
        %dma_start3A_77 = arith.constant 0 : i32
        %dma_start3A_78 = tpu.memref_slice %arg4[%add3A_75, %dma_start3A_76, %dma_start3A_77] : memref<212992x1x32xf32, #tpu.memory_space<hbm>> -> memref<128x1x32xf32, #tpu.memory_space<hbm>>
        %dma_start3A_79 = arith.constant 0 : i32
        %dma_start3A_80 = arith.constant 0 : i32
        %dma_start3A_81 = tpu.memref_slice %arg4[%add3A_75, %dma_start3A_79, %dma_start3A_80] : memref<212992x1x32xf32, #tpu.memory_space<hbm>> -> memref<128x1x32xf32, #tpu.memory_space<hbm>>
        tpu.enqueue_dma source(%arg9 : memref<128x1x32xf32, #tpu.memory_space<vmem>>) target(%dma_start3A_81 : memref<128x1x32xf32, #tpu.memory_space<hbm>>) target_semaphore(%run_scoped3A : memref<!tpu.dma_semaphore, #tpu.memory_space<semaphore_mem>>)
        %dma_wait3A_82 = arith.constant 0 : i32
        %dma_wait3A_83 = arith.constant 0 : i32
        %dma_wait3A_84 = tpu.memref_slice %arg4[%add3A_75, %dma_wait3A_82, %dma_wait3A_83] : memref<212992x1x32xf32, #tpu.memory_space<hbm>> -> memref<128x1x32xf32, #tpu.memory_space<hbm>>
        %dma_wait3A_85 = arith.constant 0 : i32
        %dma_wait3A_86 = arith.constant 0 : i32
        %dma_wait3A_87 = tpu.memref_slice %arg4[%add3A_75, %dma_wait3A_85, %dma_wait3A_86] : memref<212992x1x32xf32, #tpu.memory_space<hbm>> -> memref<128x1x32xf32, #tpu.memory_space<hbm>>
        tpu.wait_dma2 semaphore(%run_scoped3A : memref<!tpu.dma_semaphore, #tpu.memory_space<semaphore_mem>>) src(%arg9 : memref<128x1x32xf32, #tpu.memory_space<vmem>>) dst(%dma_wait3A_87 : memref<128x1x32xf32, #tpu.memory_space<hbm>>)
        tpu.yield
      }) : () -> ()
    }
    %scan3A_8 = arith.constant 13 : i32
    return
  }
}

module attributes {stable_mosaic.version = 14 : i64} {
  func.func @_mlp_body(%arg0: i32, %arg1: memref<26x512x32xf32, #tpu.memory_space<vmem>>, %arg2: memref<832x128xbf16, #tpu.memory_space<vmem>>, %arg3: memref<1x128xf32, #tpu.memory_space<vmem>>, %arg4: memref<128x128xbf16, #tpu.memory_space<vmem>>, %arg5: memref<1x128xf32, #tpu.memory_space<vmem>>, %arg6: memref<128x1xbf16, #tpu.memory_space<vmem>>, %arg7: memref<1x1xf32, #tpu.memory_space<vmem>>, %arg8: memref<512x1xf32, #tpu.memory_space<vmem>>) attributes {dimension_semantics = [#tpu.dimension_semantics<arbitrary>], iteration_bounds = array<i64: 16>, scalar_prefetch = 0 : i64, scratch_operands = 0 : i64, tpu.core_type = #tpu.core_type<tc>, window_params = [{transform_indices = @transform_0, window_bounds = array<i64: 26, 512, 32>}, {pipeline_mode = #tpu.pipeline_mode<synchronous>, transform_indices = @transform_1, window_bounds = array<i64: 832, 128>}, {pipeline_mode = #tpu.pipeline_mode<synchronous>, transform_indices = @transform_2, window_bounds = array<i64: 1, 128>}, {pipeline_mode = #tpu.pipeline_mode<synchronous>, transform_indices = @transform_3, window_bounds = array<i64: 128, 128>}, {pipeline_mode = #tpu.pipeline_mode<synchronous>, transform_indices = @transform_4, window_bounds = array<i64: 1, 128>}, {pipeline_mode = #tpu.pipeline_mode<synchronous>, transform_indices = @transform_5, window_bounds = array<i64: 128, 1>}, {pipeline_mode = #tpu.pipeline_mode<synchronous>, transform_indices = @transform_6, window_bounds = array<i64: 1, 1>}, {transform_indices = @transform_7, window_bounds = array<i64: 512, 1>}]} {
    %get3A = arith.constant 0 : index
    %get3A_0 = arith.constant 0 : index
    %get3A_1 = arith.constant 0 : index
    %get3A_2 = vector.load %arg1[%get3A, %get3A_0, %get3A_1] : memref<26x512x32xf32, #tpu.memory_space<vmem>>, vector<1x512x32xf32>
    %get3A_3 = vector.shape_cast %get3A_2 : vector<1x512x32xf32> to vector<512x32xf32>
    %get3A_4 = arith.constant 1 : index
    %get3A_5 = arith.constant 0 : index
    %get3A_6 = arith.constant 0 : index
    %get3A_7 = vector.load %arg1[%get3A_4, %get3A_5, %get3A_6] : memref<26x512x32xf32, #tpu.memory_space<vmem>>, vector<1x512x32xf32>
    %get3A_8 = vector.shape_cast %get3A_7 : vector<1x512x32xf32> to vector<512x32xf32>
    %get3A_9 = arith.constant 2 : index
    %get3A_10 = arith.constant 0 : index
    %get3A_11 = arith.constant 0 : index
    %get3A_12 = vector.load %arg1[%get3A_9, %get3A_10, %get3A_11] : memref<26x512x32xf32, #tpu.memory_space<vmem>>, vector<1x512x32xf32>
    %get3A_13 = vector.shape_cast %get3A_12 : vector<1x512x32xf32> to vector<512x32xf32>
    %get3A_14 = arith.constant 3 : index
    %get3A_15 = arith.constant 0 : index
    %get3A_16 = arith.constant 0 : index
    %get3A_17 = vector.load %arg1[%get3A_14, %get3A_15, %get3A_16] : memref<26x512x32xf32, #tpu.memory_space<vmem>>, vector<1x512x32xf32>
    %get3A_18 = vector.shape_cast %get3A_17 : vector<1x512x32xf32> to vector<512x32xf32>
    %get3A_19 = arith.constant 4 : index
    %get3A_20 = arith.constant 0 : index
    %get3A_21 = arith.constant 0 : index
    %get3A_22 = vector.load %arg1[%get3A_19, %get3A_20, %get3A_21] : memref<26x512x32xf32, #tpu.memory_space<vmem>>, vector<1x512x32xf32>
    %get3A_23 = vector.shape_cast %get3A_22 : vector<1x512x32xf32> to vector<512x32xf32>
    %get3A_24 = arith.constant 5 : index
    %get3A_25 = arith.constant 0 : index
    %get3A_26 = arith.constant 0 : index
    %get3A_27 = vector.load %arg1[%get3A_24, %get3A_25, %get3A_26] : memref<26x512x32xf32, #tpu.memory_space<vmem>>, vector<1x512x32xf32>
    %get3A_28 = vector.shape_cast %get3A_27 : vector<1x512x32xf32> to vector<512x32xf32>
    %get3A_29 = arith.constant 6 : index
    %get3A_30 = arith.constant 0 : index
    %get3A_31 = arith.constant 0 : index
    %get3A_32 = vector.load %arg1[%get3A_29, %get3A_30, %get3A_31] : memref<26x512x32xf32, #tpu.memory_space<vmem>>, vector<1x512x32xf32>
    %get3A_33 = vector.shape_cast %get3A_32 : vector<1x512x32xf32> to vector<512x32xf32>
    %get3A_34 = arith.constant 7 : index
    %get3A_35 = arith.constant 0 : index
    %get3A_36 = arith.constant 0 : index
    %get3A_37 = vector.load %arg1[%get3A_34, %get3A_35, %get3A_36] : memref<26x512x32xf32, #tpu.memory_space<vmem>>, vector<1x512x32xf32>
    %get3A_38 = vector.shape_cast %get3A_37 : vector<1x512x32xf32> to vector<512x32xf32>
    %get3A_39 = arith.constant 8 : index
    %get3A_40 = arith.constant 0 : index
    %get3A_41 = arith.constant 0 : index
    %get3A_42 = vector.load %arg1[%get3A_39, %get3A_40, %get3A_41] : memref<26x512x32xf32, #tpu.memory_space<vmem>>, vector<1x512x32xf32>
    %get3A_43 = vector.shape_cast %get3A_42 : vector<1x512x32xf32> to vector<512x32xf32>
    %get3A_44 = arith.constant 9 : index
    %get3A_45 = arith.constant 0 : index
    %get3A_46 = arith.constant 0 : index
    %get3A_47 = vector.load %arg1[%get3A_44, %get3A_45, %get3A_46] : memref<26x512x32xf32, #tpu.memory_space<vmem>>, vector<1x512x32xf32>
    %get3A_48 = vector.shape_cast %get3A_47 : vector<1x512x32xf32> to vector<512x32xf32>
    %get3A_49 = arith.constant 10 : index
    %get3A_50 = arith.constant 0 : index
    %get3A_51 = arith.constant 0 : index
    %get3A_52 = vector.load %arg1[%get3A_49, %get3A_50, %get3A_51] : memref<26x512x32xf32, #tpu.memory_space<vmem>>, vector<1x512x32xf32>
    %get3A_53 = vector.shape_cast %get3A_52 : vector<1x512x32xf32> to vector<512x32xf32>
    %get3A_54 = arith.constant 11 : index
    %get3A_55 = arith.constant 0 : index
    %get3A_56 = arith.constant 0 : index
    %get3A_57 = vector.load %arg1[%get3A_54, %get3A_55, %get3A_56] : memref<26x512x32xf32, #tpu.memory_space<vmem>>, vector<1x512x32xf32>
    %get3A_58 = vector.shape_cast %get3A_57 : vector<1x512x32xf32> to vector<512x32xf32>
    %get3A_59 = arith.constant 12 : index
    %get3A_60 = arith.constant 0 : index
    %get3A_61 = arith.constant 0 : index
    %get3A_62 = vector.load %arg1[%get3A_59, %get3A_60, %get3A_61] : memref<26x512x32xf32, #tpu.memory_space<vmem>>, vector<1x512x32xf32>
    %get3A_63 = vector.shape_cast %get3A_62 : vector<1x512x32xf32> to vector<512x32xf32>
    %get3A_64 = arith.constant 13 : index
    %get3A_65 = arith.constant 0 : index
    %get3A_66 = arith.constant 0 : index
    %get3A_67 = vector.load %arg1[%get3A_64, %get3A_65, %get3A_66] : memref<26x512x32xf32, #tpu.memory_space<vmem>>, vector<1x512x32xf32>
    %get3A_68 = vector.shape_cast %get3A_67 : vector<1x512x32xf32> to vector<512x32xf32>
    %get3A_69 = arith.constant 14 : index
    %get3A_70 = arith.constant 0 : index
    %get3A_71 = arith.constant 0 : index
    %get3A_72 = vector.load %arg1[%get3A_69, %get3A_70, %get3A_71] : memref<26x512x32xf32, #tpu.memory_space<vmem>>, vector<1x512x32xf32>
    %get3A_73 = vector.shape_cast %get3A_72 : vector<1x512x32xf32> to vector<512x32xf32>
    %get3A_74 = arith.constant 15 : index
    %get3A_75 = arith.constant 0 : index
    %get3A_76 = arith.constant 0 : index
    %get3A_77 = vector.load %arg1[%get3A_74, %get3A_75, %get3A_76] : memref<26x512x32xf32, #tpu.memory_space<vmem>>, vector<1x512x32xf32>
    %get3A_78 = vector.shape_cast %get3A_77 : vector<1x512x32xf32> to vector<512x32xf32>
    %get3A_79 = arith.constant 16 : index
    %get3A_80 = arith.constant 0 : index
    %get3A_81 = arith.constant 0 : index
    %get3A_82 = vector.load %arg1[%get3A_79, %get3A_80, %get3A_81] : memref<26x512x32xf32, #tpu.memory_space<vmem>>, vector<1x512x32xf32>
    %get3A_83 = vector.shape_cast %get3A_82 : vector<1x512x32xf32> to vector<512x32xf32>
    %get3A_84 = arith.constant 17 : index
    %get3A_85 = arith.constant 0 : index
    %get3A_86 = arith.constant 0 : index
    %get3A_87 = vector.load %arg1[%get3A_84, %get3A_85, %get3A_86] : memref<26x512x32xf32, #tpu.memory_space<vmem>>, vector<1x512x32xf32>
    %get3A_88 = vector.shape_cast %get3A_87 : vector<1x512x32xf32> to vector<512x32xf32>
    %get3A_89 = arith.constant 18 : index
    %get3A_90 = arith.constant 0 : index
    %get3A_91 = arith.constant 0 : index
    %get3A_92 = vector.load %arg1[%get3A_89, %get3A_90, %get3A_91] : memref<26x512x32xf32, #tpu.memory_space<vmem>>, vector<1x512x32xf32>
    %get3A_93 = vector.shape_cast %get3A_92 : vector<1x512x32xf32> to vector<512x32xf32>
    %get3A_94 = arith.constant 19 : index
    %get3A_95 = arith.constant 0 : index
    %get3A_96 = arith.constant 0 : index
    %get3A_97 = vector.load %arg1[%get3A_94, %get3A_95, %get3A_96] : memref<26x512x32xf32, #tpu.memory_space<vmem>>, vector<1x512x32xf32>
    %get3A_98 = vector.shape_cast %get3A_97 : vector<1x512x32xf32> to vector<512x32xf32>
    %get3A_99 = arith.constant 20 : index
    %get3A_100 = arith.constant 0 : index
    %get3A_101 = arith.constant 0 : index
    %get3A_102 = vector.load %arg1[%get3A_99, %get3A_100, %get3A_101] : memref<26x512x32xf32, #tpu.memory_space<vmem>>, vector<1x512x32xf32>
    %get3A_103 = vector.shape_cast %get3A_102 : vector<1x512x32xf32> to vector<512x32xf32>
    %get3A_104 = arith.constant 21 : index
    %get3A_105 = arith.constant 0 : index
    %get3A_106 = arith.constant 0 : index
    %get3A_107 = vector.load %arg1[%get3A_104, %get3A_105, %get3A_106] : memref<26x512x32xf32, #tpu.memory_space<vmem>>, vector<1x512x32xf32>
    %get3A_108 = vector.shape_cast %get3A_107 : vector<1x512x32xf32> to vector<512x32xf32>
    %get3A_109 = arith.constant 22 : index
    %get3A_110 = arith.constant 0 : index
    %get3A_111 = arith.constant 0 : index
    %get3A_112 = vector.load %arg1[%get3A_109, %get3A_110, %get3A_111] : memref<26x512x32xf32, #tpu.memory_space<vmem>>, vector<1x512x32xf32>
    %get3A_113 = vector.shape_cast %get3A_112 : vector<1x512x32xf32> to vector<512x32xf32>
    %get3A_114 = arith.constant 23 : index
    %get3A_115 = arith.constant 0 : index
    %get3A_116 = arith.constant 0 : index
    %get3A_117 = vector.load %arg1[%get3A_114, %get3A_115, %get3A_116] : memref<26x512x32xf32, #tpu.memory_space<vmem>>, vector<1x512x32xf32>
    %get3A_118 = vector.shape_cast %get3A_117 : vector<1x512x32xf32> to vector<512x32xf32>
    %get3A_119 = arith.constant 24 : index
    %get3A_120 = arith.constant 0 : index
    %get3A_121 = arith.constant 0 : index
    %get3A_122 = vector.load %arg1[%get3A_119, %get3A_120, %get3A_121] : memref<26x512x32xf32, #tpu.memory_space<vmem>>, vector<1x512x32xf32>
    %get3A_123 = vector.shape_cast %get3A_122 : vector<1x512x32xf32> to vector<512x32xf32>
    %get3A_124 = arith.constant 25 : index
    %get3A_125 = arith.constant 0 : index
    %get3A_126 = arith.constant 0 : index
    %get3A_127 = vector.load %arg1[%get3A_124, %get3A_125, %get3A_126] : memref<26x512x32xf32, #tpu.memory_space<vmem>>, vector<1x512x32xf32>
    %get3A_128 = vector.shape_cast %get3A_127 : vector<1x512x32xf32> to vector<512x32xf32>
    %concatenate3A = tpu.concatenate %get3A_3, %get3A_8, %get3A_13, %get3A_18, %get3A_23, %get3A_28, %get3A_33, %get3A_38, %get3A_43, %get3A_48, %get3A_53, %get3A_58, %get3A_63, %get3A_68, %get3A_73, %get3A_78, %get3A_83, %get3A_88, %get3A_93, %get3A_98, %get3A_103, %get3A_108, %get3A_113, %get3A_118, %get3A_123, %get3A_128 in 1 : vector<512x32xf32>, vector<512x32xf32>, vector<512x32xf32>, vector<512x32xf32>, vector<512x32xf32>, vector<512x32xf32>, vector<512x32xf32>, vector<512x32xf32>, vector<512x32xf32>, vector<512x32xf32>, vector<512x32xf32>, vector<512x32xf32>, vector<512x32xf32>, vector<512x32xf32>, vector<512x32xf32>, vector<512x32xf32>, vector<512x32xf32>, vector<512x32xf32>, vector<512x32xf32>, vector<512x32xf32>, vector<512x32xf32>, vector<512x32xf32>, vector<512x32xf32>, vector<512x32xf32>, vector<512x32xf32>, vector<512x32xf32> -> vector<512x832xf32>
    %convert_element_type3A = arith.truncf %concatenate3A : vector<512x832xf32> to vector<512x832xbf16>
    %get3A_129 = arith.constant 0 : index
    %get3A_130 = arith.constant 0 : index
    %get3A_131 = vector.load %arg2[%get3A_129, %get3A_130] : memref<832x128xbf16, #tpu.memory_space<vmem>>, vector<832x128xbf16>
    %dot_general3A = arith.constant dense<0.000000e+00> : vector<512x128xf32>
    %dot_general3A_132 = tpu.matmul %convert_element_type3A, %get3A_131, %dot_general3A {dimension_numbers = #tpu.dot_dimension_numbers<[1], [0], [0], [1], [0, 0, 1, 1], [], []>, transpose_lhs_hint = false} : vector<512x832xbf16>, vector<832x128xbf16>, vector<512x128xf32> -> vector<512x128xf32>
    %get3A_133 = arith.constant 0 : index
    %get3A_134 = arith.constant 0 : index
    %get3A_135 = vector.load %arg3[%get3A_133, %get3A_134] : memref<1x128xf32, #tpu.memory_space<vmem>>, vector<1x128xf32>
    %add3A = vector.broadcast %get3A_135 : vector<1x128xf32> to vector<512x128xf32>
    %add3A_136 = arith.addf %dot_general3A_132, %add3A : vector<512x128xf32>
    %max3A = arith.constant 0.000000e+00 : f32
    %max3A_137 = vector.broadcast %max3A : f32 to vector<512x128xf32>
    %max3A_138 = arith.maximumf %add3A_136, %max3A_137 : vector<512x128xf32>
    %convert_element_type3A_139 = arith.truncf %max3A_138 : vector<512x128xf32> to vector<512x128xbf16>
    %get3A_140 = arith.constant 0 : index
    %get3A_141 = arith.constant 0 : index
    %get3A_142 = vector.load %arg4[%get3A_140, %get3A_141] : memref<128x128xbf16, #tpu.memory_space<vmem>>, vector<128x128xbf16>
    %dot_general3A_143 = arith.constant dense<0.000000e+00> : vector<512x128xf32>
    %dot_general3A_144 = tpu.matmul %convert_element_type3A_139, %get3A_142, %dot_general3A_143 {dimension_numbers = #tpu.dot_dimension_numbers<[1], [0], [0], [1], [0, 0, 1, 1], [], []>, transpose_lhs_hint = false} : vector<512x128xbf16>, vector<128x128xbf16>, vector<512x128xf32> -> vector<512x128xf32>
    %get3A_145 = arith.constant 0 : index
    %get3A_146 = arith.constant 0 : index
    %get3A_147 = vector.load %arg5[%get3A_145, %get3A_146] : memref<1x128xf32, #tpu.memory_space<vmem>>, vector<1x128xf32>
    %add3A_148 = vector.broadcast %get3A_147 : vector<1x128xf32> to vector<512x128xf32>
    %add3A_149 = arith.addf %dot_general3A_144, %add3A_148 : vector<512x128xf32>
    %max3A_150 = arith.constant 0.000000e+00 : f32
    %max3A_151 = vector.broadcast %max3A_150 : f32 to vector<512x128xf32>
    %max3A_152 = arith.maximumf %add3A_149, %max3A_151 : vector<512x128xf32>
    %convert_element_type3A_153 = arith.truncf %max3A_152 : vector<512x128xf32> to vector<512x128xbf16>
    %get3A_154 = arith.constant 0 : index
    %get3A_155 = arith.constant 0 : index
    %get3A_156 = vector.load %arg6[%get3A_154, %get3A_155] : memref<128x1xbf16, #tpu.memory_space<vmem>>, vector<128x1xbf16>
    %dot_general3A_157 = arith.constant dense<0.000000e+00> : vector<512x1xf32>
    %dot_general3A_158 = tpu.matmul %convert_element_type3A_153, %get3A_156, %dot_general3A_157 {dimension_numbers = #tpu.dot_dimension_numbers<[1], [0], [0], [1], [0, 0, 1, 1], [], []>, transpose_lhs_hint = false} : vector<512x128xbf16>, vector<128x1xbf16>, vector<512x1xf32> -> vector<512x1xf32>
    %get3A_159 = arith.constant 0 : index
    %get3A_160 = arith.constant 0 : index
    %get3A_161 = vector.load %arg7[%get3A_159, %get3A_160] : memref<1x1xf32, #tpu.memory_space<vmem>>, vector<1x1xf32>
    %add3A_162 = vector.broadcast %get3A_161 : vector<1x1xf32> to vector<512x1xf32>
    %add3A_163 = arith.addf %dot_general3A_158, %add3A_162 : vector<512x1xf32>
    %logistic3A = arith.negf %add3A_163 : vector<512x1xf32>
    %logistic3A_164 = math.exp %logistic3A : vector<512x1xf32>
    %logistic3A_165 = arith.constant 1.000000e+00 : f32
    %logistic3A_166 = vector.broadcast %logistic3A_165 : f32 to vector<512x1xf32>
    %logistic3A_167 = arith.addf %logistic3A_166, %logistic3A_164 : vector<512x1xf32>
    %logistic3A_168 = arith.divf %logistic3A_166, %logistic3A_167 : vector<512x1xf32>
    %swap3A = arith.constant 0 : index
    %swap3A_169 = arith.constant 0 : index
    %swap3A_170 = vector.load %arg8[%swap3A, %swap3A_169] : memref<512x1xf32, #tpu.memory_space<vmem>>, vector<512x1xf32>
    tpu.vector_store %arg8[%swap3A, %swap3A_169], %logistic3A_168 {strides = array<i32>} : memref<512x1xf32, #tpu.memory_space<vmem>>, vector<512x1xf32>,
    return
  }
  func.func @transform_0(%arg0: i32) -> (i32, i32, i32) {
    %c0_i32 = arith.constant 0 : i32
    %c0_i32_0 = arith.constant 0 : i32
    %c0_i32_1 = arith.constant 0 : i32
    return %c0_i32, %arg0, %c0_i32_0 : i32, i32, i32
  }
  func.func @transform_1(%arg0: i32) -> (i32, i32) {
    %c0_i32 = arith.constant 0 : i32
    %c0_i32_0 = arith.constant 0 : i32
    %c0_i32_1 = arith.constant 0 : i32
    return %c0_i32, %c0_i32_0 : i32, i32
  }
  func.func @transform_2(%arg0: i32) -> (i32, i32) {
    %c0_i32 = arith.constant 0 : i32
    %c0_i32_0 = arith.constant 0 : i32
    %c0_i32_1 = arith.constant 0 : i32
    return %c0_i32, %c0_i32_0 : i32, i32
  }
  func.func @transform_3(%arg0: i32) -> (i32, i32) {
    %c0_i32 = arith.constant 0 : i32
    %c0_i32_0 = arith.constant 0 : i32
    %c0_i32_1 = arith.constant 0 : i32
    return %c0_i32, %c0_i32_0 : i32, i32
  }
  func.func @transform_4(%arg0: i32) -> (i32, i32) {
    %c0_i32 = arith.constant 0 : i32
    %c0_i32_0 = arith.constant 0 : i32
    %c0_i32_1 = arith.constant 0 : i32
    return %c0_i32, %c0_i32_0 : i32, i32
  }
  func.func @transform_5(%arg0: i32) -> (i32, i32) {
    %c0_i32 = arith.constant 0 : i32
    %c0_i32_0 = arith.constant 0 : i32
    %c0_i32_1 = arith.constant 0 : i32
    return %c0_i32, %c0_i32_0 : i32, i32
  }
  func.func @transform_6(%arg0: i32) -> (i32, i32) {
    %c0_i32 = arith.constant 0 : i32
    %c0_i32_0 = arith.constant 0 : i32
    %c0_i32_1 = arith.constant 0 : i32
    return %c0_i32, %c0_i32_0 : i32, i32
  }
  func.func @transform_7(%arg0: i32) -> (i32, i32) {
    %c0_i32 = arith.constant 0 : i32
    %c0_i32_0 = arith.constant 0 : i32
    return %arg0, %c0_i32 : i32, i32
  }
}

</mosaic_0001>

<sc_bundles>
// kernel: kernel.6.cloned.1.call-start
scs
__scs_entry_jumppad:
0x0: {  	(pc) =	sbr.rel $0x88, $3  }
0x1: {  	(tag) =	ssettag $0x0;
	lr =	simm.s32 $0x1  }
0x2: {  	[smem:$0x3F99] =	sst lr;
	_ =	strace $0xD0000000  }
0x3: {  	_ = 	snop  }
0x4: {  	_ = 	snop  }
0x5: {  	_ = 	snop  }
0x6: {  	_ = 	snop  }
0x7: {  	_ = 	snop  }
__scs_overlays_trampoline_lowered:
0x8: {  	[smem:$0x3FA8] =	sst s0  }
0x9: {  	[smem:$0x3FA9] =	sst s1  }
0xa: {  	[smem:$0x3FAA] =	sst s2  }
0xb: {  	[smem:$0x3FAB] =	sst s3  }
0xc: {  	[smem:$0x3FAC] =	sst s4  }
0xd: {  	[smem:$0x3FAD] =	sst s5  }
0xe: {  	[smem:$0x3FAE] =	sst s6  }
0xf: {  	[smem:$0x3FAF] =	sst s7  }
0x10: {  	[smem:$0x3FB0] =	sst s8  }
0x11: {  	[smem:$0x3FB1] =	sst s9;
	s0 =	simm.s32 @!p0 $0x0  }
0x12: {  	s1 =	sld [smem:$0x3F97];
	s0 =	simm.s32 @p0 $0x1  }
0x13: {  	[smem:$0x3FB2] =	sst s0;
	s0 =	simm.s32 @!p1 $0x0  }
0x14: {  	s2 =	sld [smem:$0x3F96];
	s0 =	simm.s32 @p1 $0x1  }
0x15: {  	[smem:$0x3FB3] =	sst s0;
	s0 =	simm.s32 @!p2 $0x0  }
0x16: {  	s3 =	sld [smem:$0x3FDB];
	s0 =	simm.s32 @p2 $0x1  }
0x17: {  	s4 =	simm.s32 $0x1BF5;
	[smem:$0x3FB5] =	sst s0  }
0x18: {  	s0 =	sld [smem:$0x3F98];
	_ =	swait.ge [sflag:s4], $0x0  }
0x19: {  	s7 =	sld [smem:$0x3F99]  }
0x1a: {  	s8 =	sadd.s32 $0xFFFFE003, lr  }
0x1b: {  	s9 =	sadd.s32 $0xFFFFFEF7, lr;
	s5 =	simm.s32 $0xFFFFFFFF;
	p2 =	slt.u32 s8, $0xFFFFF086  }
0x1c: {  	p1 =	slt.u32 s9, $0xF7A;
	s5 =	simm.s32 @!p2 $0x0  }
0x1d: {  	s5 =	simm.s32 @p1 $0x1;
	p0 =	seq.s32 s7, s2  }
0x1e: {  	s7 =	smul.u32 @!p0 $0xF7A, s2;
	p2 =	seq.s32 @!p0 s5, $0x0  }
0x1f: {  	s9 =	smul.u32 $0xF7A, s1;
	s8 =	simm.s32 @!p0 $0x1BF5;
	p2 =	por !p2, p0  }
0x20: {  	[sflag:s8] =	ssyncset.s32 @!p0 $0xFFFFF086;
	s6 =	sadd.s32 @!p0 s3, s7;
	s7 =	simm.s32 @!p0 $0x108  }
0x21: {  	s3 =	sadd.s32 s3, s9;
	s6 =	sadd.s32 @!p0 $0x88, s6;
	s7 =	simm.s32 @p2 $0x1082  }
0x22: {  	[simem:s7], [sflag:s8] =	dma.local @!p0 [hbm:s6], $0xF7A  }
0x23: {  	s9 =	sor.u32 $0xD0000000, s2;
	s6 =	simm.s32 $0x108;
	_ =	swait.ge @!p0 [sflag:s8], $0x0  }
0x24: {  	s3 =	sadd.s32 $0x88, s3;
	s6 =	simm.s32 @!p1 $0x1082;
	[sflag:s4] =	ssyncset.s32 $0xFFFFF086  }
0x25: {  	[simem:s6], [sflag:s4] =	dma.local [hbm:s3], $0xF7A  }
0x26: {  	[smem:$0x3F99] =	sst s1;
	(tag) =	ssettag s2;
	_ =	strace s9  }
0x27: {  	s1 =	sld [smem:$0x3FA9]  }
0x28: {  	s2 =	sld [smem:$0x3FAA]  }
0x29: {  	s4 =	sld [smem:$0x3FAC]  }
0x2a: {  	p0 =	seq.s32 s5, $0x0;
	s5 =	sld [smem:$0x3FAD]  }
0x2b: {  	s6 =	sld [smem:$0x3FAE]  }
0x2c: {  	s7 =	sld [smem:$0x3FAF]  }
0x2d: {  	s3 =	simm.s32 $0x108;
	s8 =	sld [smem:$0x3FB0]  }
0x2e: {  	s3 =	simm.s32 @!p0 $0x1082;
	s9 =	sld [smem:$0x3FB1]  }
0x2f: {  	lr =	sadd.s32 s0, s3;
	s0 =	sld [smem:$0x3FA8]  }
0x30: {  	s3 =	sld [smem:$0x3FAB]  }
0x31: {  	[smem:$0x3FB4] =	sst s10  }
0x32: {  	s10 =	sld [smem:$0x3FB2];
	_ =	sdelay $0x3  }
0x33: {  	p0 =	seq.s32 s10, $0x1;
	s10 =	sld [smem:$0x3FB4];
	_ =	sdelay $0x3  }
0x34: {  	[smem:$0x3FB4] =	sst s10  }
0x35: {  	s10 =	sld [smem:$0x3FB3];
	_ =	sdelay $0x3  }
0x36: {  	p1 =	seq.s32 s10, $0x1;
	s10 =	sld [smem:$0x3FB4];
	_ =	sdelay $0x3  }
0x37: {  	[smem:$0x3FB4] =	sst s10  }
0x38: {  	s10 =	sld [smem:$0x3FB5]  }
0x39: {  	_ = 	snop;
	(pc) =	sbr.ind lr, $3  }
0x3a: {  	_ = 	snop  }
0x3b: {  	_ = 	snop  }
0x3c: {  	p2 =	seq.s32 s10, $0x1;
	s10 =	sld [smem:$0x3FB4]  }
0x3d: {  	_ =	shalt  }
0x3e: {  	_ =	shalt  }
0x3f: {  	_ =	shalt  }
0x40: {  	_ =	shalt  }
0x41: {  	_ =	shalt  }
0x42: {  	_ =	shalt  }
0x43: {  	_ =	shalt  }
0x44: {  	_ =	shalt  }
0x45: {  	_ =	shalt  }
0x46: {  	_ =	shalt  }
0x47: {  	_ =	shalt  }
0x48: {  	_ =	shalt  }
0x49: {  	_ =	shalt  }
0x4a: {  	_ =	shalt  }
0x4b: {  	_ =	shalt  }
0x4c: {  	_ =	shalt  }
0x4d: {  	_ =	shalt  }
0x4e: {  	_ =	shalt  }
0x4f: {  	_ =	shalt  }
0x50: {  	_ =	shalt  }
0x51: {  	_ =	shalt  }
0x52: {  	_ =	shalt  }
0x53: {  	_ =	shalt  }
0x54: {  	_ =	shalt  }
0x55: {  	_ =	shalt  }
0x56: {  	_ =	shalt  }
0x57: {  	_ =	shalt  }
0x58: {  	_ =	shalt  }
0x59: {  	_ =	shalt  }
0x5a: {  	_ =	shalt  }
0x5b: {  	_ =	shalt  }
0x5c: {  	_ =	shalt  }
0x5d: {  	_ =	shalt  }
0x5e: {  	_ =	shalt  }
0x5f: {  	_ =	shalt  }
0x60: {  	_ =	shalt  }
0x61: {  	_ =	shalt  }
0x62: {  	_ =	shalt  }
0x63: {  	_ =	shalt  }
0x64: {  	_ =	shalt  }
0x65: {  	_ =	shalt  }
0x66: {  	_ =	shalt  }
0x67: {  	_ =	shalt  }
0x68: {  	_ =	shalt  }
0x69: {  	_ =	shalt  }
0x6a: {  	_ =	shalt  }
0x6b: {  	_ =	shalt  }
0x6c: {  	_ =	shalt  }
0x6d: {  	_ =	shalt  }
0x6e: {  	_ =	shalt  }
0x6f: {  	_ =	shalt  }
0x70: {  	_ =	shalt  }
0x71: {  	_ =	shalt  }
0x72: {  	_ =	shalt  }
0x73: {  	_ =	shalt  }
0x74: {  	_ =	shalt  }
0x75: {  	_ =	shalt  }
0x76: {  	_ =	shalt  }
0x77: {  	_ =	shalt  }
0x78: {  	_ =	shalt  }
0x79: {  	_ =	shalt  }
0x7a: {  	_ =	shalt  }
0x7b: {  	_ =	shalt  }
0x7c: {  	_ =	shalt  }
0x7d: {  	_ =	shalt  }
0x7e: {  	_ =	shalt  }
0x7f: {  	_ =	shalt  }
0x80: {  	_ =	shalt  }
0x81: {  	_ =	shalt  }
0x82: {  	_ =	shalt  }
0x83: {  	_ =	shalt  }
0x84: {  	_ =	shalt  }
0x85: {  	_ =	shalt  }
0x86: {  	_ =	shalt  }
0x87: {  	_ =	shalt  }
.Lfunc_end0:
.L_simem_size_0:
called_computation_lowered:
.L_overlay_start_0:
0x88: {  	s2 =	sld [smem:$0x3FD9]  }
0x89: {  	s3 =	sld [smem:$0x3FFE];
	_ =	sdelay $0x1  }
0x8a: {  	s1 =	srdreg.scid  }
0x8b: {  	s0 =	sand.u32 $0x1, s1  }
0x8c: {  	s17 =	sshll.u32 s0, $0xA;
	s2 =	sadd.s32 s3, s2  }
0x8d: {  	s2 =	sadd.s32 s2, s17  }
0x8e: {  	[smem:$0x3FC0] =	sst s2  }
0x8f: {  	_ = 	snop  }
0x90: {  	(tm) =	ssettm $0x1  }
0x91: {  	s18 =	sld [smem:$0x3FFB];
	_ =	sdelay $0x3  }
0x92: {  	_ =	strace s18  }
0x93: {  	s2 =	sld [smem:$0x3FFC];
	_ =	sdelay $0x3  }
0x94: {  	_ =	strace s2  }
0x95: {  	s2 =	sld [smem:$0x3FFD];
	_ =	sdelay $0x3  }
0x96: {  	_ =	strace s2  }
0x97: {  	_ =	strace $0x8FFFFFFF  }
0x98: {  	s19 =	sld [smem:$0x3FDB];
	_ =	sdelay $0x1  }
0x99: {  	s20 =	simm.s32 $_scs_section_size  }
0x9a: {  	s4 =	simm.s32 $_size__tile_overlayer_lowered;
	s5 =	simm.s32 $_tile_overlayer_lowered  }
0x9b: {  	s6 =	simm.s32 $0x1BFF;
	s21 =	sshll.u32 s5, $0x1;
	s3 =	sadd.s32 s20, s19  }
0x9c: {  	s22 =	simm.s32 $0x0;
	s4 =	sshll.u32 s4, $0x1;
	s5 =	sadd.s32 s21, s3  }
0x9d: {  	[timem:s22], [sflag:s6] =	dma.local [hbm:s5], s4  }
0x9e: {  	_ =	swait.ge [sflag:s6], s4  }
0x9f: {  	s4 =	ssub.s32 $0x0, s4;
	[sflag:s6] =	ssyncset.done $0x0  }
0xa0: {  	[sflag:s6] =	ssyncadd.s32 s4;
	_ =	sdelay $0x1  }
0xa1: {  	s23 =	simm.s32 $0x1B8B  }
0xa2: {  	_ =	swait.ge [sflag:s23], $0x1  }
0xa3: {  	[sflag:s23] =	ssyncset.done $0x0  }
0xa4: {  	[sflag:s23] =	ssyncadd.s32 $0xFFFFFFFF  }
0xa5: {  	s4 =	sld [smem:$0x0]  }
0xa6: {  	s5 =	sand.u32 $0xFFFFFFFE, s1  }
0xa7: {  	p0 =	sne.s32 s1, s5  }
0xa8: {  	s5 =	sshll.u32 @p0 s5, $0xE  }
0xa9: {  	s5 =	sadd.s32 @p0 $0x11B8D, s5;
	s6 =	sshll.u32 @p0 s4, $0x11  }
0xaa: {  	s5 =	sor.u32 @p0 s6, s5  }
0xab: {  	[sflag:s5] =	ssyncadd.remote.s32 @p0 $0x1;
	_ =	sdelay $0x1  }
0xac: {  	s5 =	simm.s32 @p0 $0x1B8D  }
0xad: {  	_ =	swait.eq @p0 [sflag:s5], $0x1  }
0xae: {  	[sflag:s5] =	ssyncadd.s32 @p0 $0xFFFFFFFF  }
0xaf: {  	s6 =	sshll.u32 @!p0 s1, $0xE  }
0xb0: {  	s6 =	sor.u32 @!p0 $0x4000, s6;
	s5 =	simm.s32 @!p0 $0x1B8D  }
0xb1: {  	s4 =	sshll.u32 @!p0 s4, $0x11;
	s6 =	sadd.s32 @!p0 $0x11B8D, s6;
	_ =	swait.eq @!p0 [sflag:s5], $0x1  }
0xb2: {  	s4 =	sor.u32 @!p0 s4, s6;
	[sflag:s5] =	ssyncadd.s32 @!p0 $0xFFFFFFFF  }
0xb3: {  	s25 =	simm.s32 $0x1B8E;
	s24 =	sld [smem:$0x3FFE];
	[sflag:s4] =	ssyncadd.remote.s32 @!p0 $0x1  }
0xb4: {  	s26 =	simm.s32 $execute0_lowered;
	[smem:$0x3FD2] =	sst s25  }
0xb5: {  	s5 =	sshll.u32 s26, $0x1;
	_ =	strace $0x80000049;
	[dreg:$0x1] =	wrdreg $0xFFFFFFFF  }
0xb6: {  	s28 =	simm.s32 $_size_execute0_lowered;
	s3 =	sadd.s32 s3, s5;
	[dreg:$0x0] =	wrdreg $0x0  }
0xb7: {  	s5 =	sshll.u32 s28, $0x1;
	[dreg:$0x2] =	wrdreg s3  }
0xb8: {  	[dreg:$0x3] =	wrdreg s5  }
0xb9: {  	[dreg:$0x4] =	wrdreg $0xC0  }
0xba: {  	_ =	task [dreg:s22], $0x5FFFF  }
0xbb: {  	[dreg:$0x1] =	wrdreg $0xFFFFFFFF  }
0xbc: {  	[dreg:$0x0] =	wrdreg $0x60  }
0xbd: {  	[dreg:$0x2] =	wrdreg s24  }
0xbe: {  	[dreg:$0x3] =	wrdreg $0x9  }
0xbf: {  	_ =	task.clear_ibuf [dreg:s22], $0x4FFFF;
	_ =	strace $0x90000049  }
0xc0: {  	s29 =	simm.s32 $0x9;
	_ =	strace $0x8000004B  }
0xc1: {  	_ =	swait.ge [sflag:s29], $0x1  }
0xc2: {  	[sflag:s29] =	ssyncadd.s32 $0xFFFFFFFF  }
0xc3: {  	_ =	strace $0x9000004B  }
0xc4: {  	_ =	sfence  }
0xc5: {  	s30 =	sld [smem:$0x0];
	_ =	sdelay $0x2  }
0xc6: {  	s31 =	sshll.u32 s1, $0xD;
	s1 =	sshrl.u32 s1, $0x2  }
0xc7: {  	s4 =	sand.u32 $0x4000, s31;
	s1 =	sadd.s32 s1, s30  }
0xc8: {  	s0 =	sor.u32 s4, s0;
	s1 =	sshll.u32 s1, $0x11  }
0xc9: {  	s0 =	sor.u32 s1, s0  }
0xca: {  	s0 =	sadd.s32 $0x8F2B, s0  }
0xcb: {  	[sflag:s0] =	ssyncadd.remote.s32 $0x1  }
0xcc: {  	_ =	sfence.sel $0xFFFF  }
0xcd: {  	[dreg:$0x0] =	wrdreg $0xFFFFFFFF;
	(pc) =	sbr.abs _section_cstart, $3  }
0xce: {  	[dreg:$0x1] =	wrdreg $0xFFFFFFFF  }
0xcf: {  	_ =	task.clear_ibuf [dreg:s22], $0x2FFFF;
	_ =	strace $0x9FFFFFFF  }
0xd0: {  	(tm) =	ssettm $0x7FFFFFFF  }
0xd1: {  	_ =	shalt  }
tec
execute0_lowered:
.L_overlay_start_1:
0x0: {  	(tag) =	ssettag $0x1  }
0x1: {  	s1 =	srdreg.scid;
	s0 =	stileid.u32  }
0x2: {  	s4 =	rddreg [dreg:$0x0];
	s2 =	simm.s32 $0x0;
	s13 =	simm.s32 $0x5A00  }
0x3: {  	s14 =	simm.s32 $0x9A00;
	s15 =	simm.s32 $0xDA00;
	s16 =	simm.s32 $0x1  }
0x4: {  	s17 =	simm.s32 $0x6;
	s18 =	simm.s32 $0x2;
	s19 =	simm.s32 $0x3  }
0x5: {  	s20 =	simm.s32 $0x4;
	s21 =	simm.s32 $0x0;
	s5 =	sand.u32 $0x1, s1  }
0x6: {  	s28 =	sshll.u32 s0, $0x1;
	s1 =	rddreg [dreg:$0x1];
	s6 =	smul.u32 $0x3400, s0  }
0x7: {  	[smem:$0x7FF] =	sst s2;
	s10 =	sadd.s32 $0x2AFC200, s4;
	s31 =	smul.u32 $0x34000, s0  }
0x8: {  	s3 =	sor.u32 s5, s28;
	s8 =	smul.u32 $0x1A00, s5;
	s9 =	ssub.s32 $0x2, s5  }
0x9: {  	_ =	strace $0x8000004A;
	s3 =	smul.u32 $0x1A00, s3;
	s29 =	sshrl.u32 s9, $0x1  }
0xa: {  	s12 =	smul.u32 $0x1A000, s5;
	s6 =	sadd.s32 s8, s6;
	s30 =	ssub.s32 s9, s29  }
0xb: {  	s9 =	sadd.s32 s31, s10;
	s7 =	sshrl.u32 s3, $0x3;
	s3 =	sadd.s32 $0xFE00, s4  }
0xc: {  	s6 =	sshll.u32 s6, $0x4;
	s5 =	smax.u32 s30, $0x1;
	s9 =	sadd.s32 s12, s9  }
0xd: {  	s12 =	simm.s32 $0x1A00;
	s7 =	sadd.s32 s7, s4;
	s11 =	sadd.s32 s6, s10  }
0xe: {  	s10 =	simm.s32 $0x5;
	s4 =	sadd.s32 $0x1600, s7;
	s6 =	sadd.s32 $0x1800, s11  }
0xf: {  	s7 =	sadd.s32 $0x1000, s11;
	s8 =	sadd.s32 $0x800, s11;
	s11 =	simm.s32 $0x80  }
.LBB2_1:
0x10: {  	[tilespmem:s2], [sflag:$0x5] =	stream.linear.gather [hbm4b:s4+s2], $0x1A00, $0x38;
	[tilespmem:$0x11A00] =	vst v63  }
0x11: {  	_ =	swait.ge [sflag:s10], $0x1A00  }
0x12: {  	[sflag:s10] =	ssyncset.done $0x0  }
0x13: {  	s22 =	simm.s32 $0x0;
	[sflag:s10] =	ssyncadd.s32 $0xFFFFE600  }
0x14: {  	[tilespmem:s12], [sflag:$0x1] =	stream.indirect.gather [hbm4b:s3+s11], $0x20, s22, s11, $0xb8;
	[tilespmem:$0x11A00] =	vst v63  }
0x15: {  	s28 =	simm.s32 $0x80  }
0x16: {  	[tilespmem:s13], [sflag:$0x2] =	stream.indirect.gather [hbm4b:s3+s11], $0x20, s28, s11, $0xb8;
	[tilespmem:$0x11A00] =	vst v63  }
0x17: {  	s30 =	simm.s32 $0x100  }
0x18: {  	[tilespmem:s14], [sflag:$0x3] =	stream.indirect.gather [hbm4b:s3+s11], $0x20, s30, s11, $0xb8;
	[tilespmem:$0x11A00] =	vst v63  }
0x19: {  	s31 =	simm.s32 $0x180  }
0x1a: {  	[tilespmem:s15], [sflag:$0x4] =	stream.indirect.gather [hbm4b:s3+s11], $0x20, s31, s11, $0xb8;
	[tilespmem:$0x11A00] =	vst v63  }
0x1b: {  	_ =	swait.ge [sflag:s16], $0x1000  }
0x1c: {  	[sflag:s16] =	ssyncset.done $0x0  }
0x1d: {  	[sflag:s16] =	ssyncadd.s32 $0xFFFFF000  }
0x1e: {  	[hbm4b:s9+s2] =	stream.linear.scatter [tilespmem:s12], [sflag:$0x6], $0x4000, $0x38;
	[tilespmem:$0x11A00] =	vst v63  }
0x1f: {  	_ =	swait.ge [sflag:s17], $0x4000  }
0x20: {  	[sflag:s17] =	ssyncset.done $0x0  }
0x21: {  	[sflag:s17] =	ssyncadd.s32 $0xFFFFC000  }
0x22: {  	_ =	swait.ge [sflag:s18], $0x1000  }
0x23: {  	[sflag:s18] =	ssyncset.done $0x0  }
0x24: {  	[sflag:s18] =	ssyncadd.s32 $0xFFFFF000  }
0x25: {  	[hbm4b:s8+s2] =	stream.linear.scatter [tilespmem:s13], [sflag:$0x6], $0x4000, $0x38;
	[tilespmem:$0x11A00] =	vst v63  }
0x26: {  	_ =	swait.ge [sflag:s17], $0x4000  }
0x27: {  	[sflag:s17] =	ssyncset.done $0x0  }
0x28: {  	[sflag:s17] =	ssyncadd.s32 $0xFFFFC000  }
0x29: {  	_ =	swait.ge [sflag:s19], $0x1000  }
0x2a: {  	[sflag:s19] =	ssyncset.done $0x0  }
0x2b: {  	[sflag:s19] =	ssyncadd.s32 $0xFFFFF000  }
0x2c: {  	[hbm4b:s7+s2] =	stream.linear.scatter [tilespmem:s14], [sflag:$0x6], $0x4000, $0x38;
	[tilespmem:$0x11A00] =	vst v63  }
0x2d: {  	_ =	swait.ge [sflag:s17], $0x4000  }
0x2e: {  	[sflag:s17] =	ssyncset.done $0x0  }
0x2f: {  	[sflag:s17] =	ssyncadd.s32 $0xFFFFC000  }
0x30: {  	_ =	swait.ge [sflag:s20], $0x1000  }
0x31: {  	[sflag:s20] =	ssyncset.done $0x0  }
0x32: {  	s26 =	simm.s32 $0x800;
	s29 =	simm.s32 $0x1000;
	[sflag:s20] =	ssyncadd.s32 $0xFFFFF000  }
0x33: {  	[hbm4b:s6+s2] =	stream.linear.scatter [tilespmem:s15], [sflag:$0x6], $0x4000, $0x38;
	[tilespmem:$0x11A00] =	vst v63  }
0x34: {  	s24 =	sadd.s32 $0x2000, s8;
	s25 =	sadd.s32 $0x2000, s9;
	_ =	swait.ge [sflag:s17], $0x4000  }
0x35: {  	s23 =	sadd.s32 $0x2000, s7;
	s22 =	sadd.s32 $0x2000, s6;
	[sflag:s17] =	ssyncset.done $0x0  }
.LBB2_2:
0x36: {  	s30 =	sshra.s32 s26, $0x2  }
0x37: {  	[sflag:s17] =	ssyncadd.s32 $0xFFFFC000;
	s26 =	smov.u32 s29;
	s28 =	sadd.s32 $0x800, s29  }
0x38: {  	[tilespmem:s12], [sflag:$0x1] =	stream.indirect.gather [hbm4b:s3+s11], $0x20, s30, s11, $0xb8;
	[tilespmem:$0x11A00] =	vst v63  }
0x39: {  	p0 =	sne.s32 s29, $0x6000;
	s29 =	sadd.s32 $0x80, s30  }
0x3a: {  	[tilespmem:s13], [sflag:$0x2] =	stream.indirect.gather [hbm4b:s3+s11], $0x20, s29, s11, $0xb8;
	[tilespmem:$0x11A00] =	vst v63  }
0x3b: {  	s29 =	sadd.s32 $0x100, s30  }
0x3c: {  	[tilespmem:s14], [sflag:$0x3] =	stream.indirect.gather [hbm4b:s3+s11], $0x20, s29, s11, $0xb8;
	[tilespmem:$0x11A00] =	vst v63  }
0x3d: {  	s29 =	sadd.s32 $0x180, s30  }
0x3e: {  	[tilespmem:s15], [sflag:$0x4] =	stream.indirect.gather [hbm4b:s3+s11], $0x20, s29, s11, $0xb8;
	[tilespmem:$0x11A00] =	vst v63  }
0x3f: {  	_ =	swait.ge [sflag:s16], $0x1000  }
0x40: {  	[sflag:s16] =	ssyncset.done $0x0  }
0x41: {  	[sflag:s16] =	ssyncadd.s32 $0xFFFFF000  }
0x42: {  	[hbm4b:s25+s2] =	stream.linear.scatter [tilespmem:s12], [sflag:$0x6], $0x4000, $0x38;
	[tilespmem:$0x11A00] =	vst v63  }
0x43: {  	_ =	swait.ge [sflag:s17], $0x4000  }
0x44: {  	[sflag:s17] =	ssyncset.done $0x0  }
0x45: {  	[sflag:s17] =	ssyncadd.s32 $0xFFFFC000  }
0x46: {  	_ =	swait.ge [sflag:s18], $0x1000  }
0x47: {  	[sflag:s18] =	ssyncset.done $0x0  }
0x48: {  	[sflag:s18] =	ssyncadd.s32 $0xFFFFF000  }
0x49: {  	[hbm4b:s24+s2] =	stream.linear.scatter [tilespmem:s13], [sflag:$0x6], $0x4000, $0x38;
	[tilespmem:$0x11A00] =	vst v63  }
0x4a: {  	_ =	swait.ge [sflag:s17], $0x4000  }
0x4b: {  	[sflag:s17] =	ssyncset.done $0x0  }
0x4c: {  	[sflag:s17] =	ssyncadd.s32 $0xFFFFC000  }
0x4d: {  	_ =	swait.ge [sflag:s19], $0x1000  }
0x4e: {  	[sflag:s19] =	ssyncset.done $0x0  }
0x4f: {  	[sflag:s19] =	ssyncadd.s32 $0xFFFFF000  }
0x50: {  	[hbm4b:s23+s2] =	stream.linear.scatter [tilespmem:s14], [sflag:$0x6], $0x4000, $0x38;
	[tilespmem:$0x11A00] =	vst v63  }
0x51: {  	_ =	swait.ge [sflag:s17], $0x4000  }
0x52: {  	[sflag:s17] =	ssyncset.done $0x0  }
0x53: {  	[sflag:s17] =	ssyncadd.s32 $0xFFFFC000  }
0x54: {  	_ =	swait.ge [sflag:s20], $0x1000  }
.Ltmp0:
0x55: {  	[sflag:s20] =	ssyncset.done $0x0;
	(pc) =	sbr.rel @p0 .LBB2_2-.Ltmp0, $4  }
0x56: {  	s29 =	smov.u32 s28;
	[sflag:s20] =	ssyncadd.s32 $0xFFFFF000  }
0x57: {  	[hbm4b:s22+s2] =	stream.linear.scatter [tilespmem:s15], [sflag:$0x6], $0x4000, $0x38;
	[tilespmem:$0x11A00] =	vst v63  }
0x58: {  	s25 =	sadd.s32 $0x2000, s25;
	s24 =	sadd.s32 $0x2000, s24;
	_ =	swait.ge [sflag:s17], $0x4000  }
0x59: {  	s23 =	sadd.s32 $0x2000, s23;
	s22 =	sadd.s32 $0x2000, s22;
	[sflag:s17] =	ssyncset.done $0x0  }
0x5a: {  	s26 =	sshra.s32 s26, $0x2;
	[sflag:s17] =	ssyncadd.s32 $0xFFFFC000  }
0x5b: {  	[tilespmem:s12], [sflag:$0x1] =	stream.indirect.gather [hbm4b:s3+s11], $0x20, s26, s11, $0xb8;
	[tilespmem:$0x11A00] =	vst v63  }
0x5c: {  	s28 =	sadd.s32 $0x80, s26  }
0x5d: {  	[tilespmem:s13], [sflag:$0x2] =	stream.indirect.gather [hbm4b:s3+s11], $0x20, s28, s11, $0xb8;
	[tilespmem:$0x11A00] =	vst v63  }
0x5e: {  	s31 =	sadd.s32 $0x100, s26  }
0x5f: {  	[tilespmem:s14], [sflag:$0x3] =	stream.indirect.gather [hbm4b:s3+s11], $0x20, s31, s11, $0xb8;
	[tilespmem:$0x11A00] =	vst v63  }
0x60: {  	s26 =	sadd.s32 $0x180, s26  }
0x61: {  	[tilespmem:s15], [sflag:$0x4] =	stream.indirect.gather [hbm4b:s3+s11], $0x20, s26, s11, $0xb8;
	[tilespmem:$0x11A00] =	vst v63  }
0x62: {  	_ =	swait.ge [sflag:s16], $0x1000  }
0x63: {  	[sflag:s16] =	ssyncset.done $0x0  }
0x64: {  	[sflag:s16] =	ssyncadd.s32 $0xFFFFF000  }
0x65: {  	[hbm4b:s25+s2] =	stream.linear.scatter [tilespmem:s12], [sflag:$0x6], $0x4000, $0x38;
	[tilespmem:$0x11A00] =	vst v63  }
0x66: {  	_ =	swait.ge [sflag:s17], $0x4000  }
0x67: {  	[sflag:s17] =	ssyncset.done $0x0  }
0x68: {  	[sflag:s17] =	ssyncadd.s32 $0xFFFFC000  }
0x69: {  	_ =	swait.ge [sflag:s18], $0x1000  }
0x6a: {  	[sflag:s18] =	ssyncset.done $0x0  }
0x6b: {  	[sflag:s18] =	ssyncadd.s32 $0xFFFFF000  }
0x6c: {  	[hbm4b:s24+s2] =	stream.linear.scatter [tilespmem:s13], [sflag:$0x6], $0x4000, $0x38;
	[tilespmem:$0x11A00] =	vst v63  }
0x6d: {  	_ =	swait.ge [sflag:s17], $0x4000  }
0x6e: {  	[sflag:s17] =	ssyncset.done $0x0  }
0x6f: {  	[sflag:s17] =	ssyncadd.s32 $0xFFFFC000  }
0x70: {  	_ =	swait.ge [sflag:s19], $0x1000  }
0x71: {  	[sflag:s19] =	ssyncset.done $0x0  }
0x72: {  	[sflag:s19] =	ssyncadd.s32 $0xFFFFF000  }
0x73: {  	[hbm4b:s23+s2] =	stream.linear.scatter [tilespmem:s14], [sflag:$0x6], $0x4000, $0x38;
	[tilespmem:$0x11A00] =	vst v63  }
0x74: {  	_ =	swait.ge [sflag:s17], $0x4000  }
0x75: {  	[sflag:s17] =	ssyncset.done $0x0  }
0x76: {  	[sflag:s17] =	ssyncadd.s32 $0xFFFFC000  }
0x77: {  	s21 =	sadd.s32 $0x1, s21;
	_ =	swait.ge [sflag:s20], $0x1000  }
0x78: {  	p0 =	sne.s32 s21, s5;
	[sflag:s20] =	ssyncset.done $0x0  }
.Ltmp1:
0x79: {  	[sflag:s20] =	ssyncadd.s32 $0xFFFFF000;
	(pc) =	sbr.rel @p0 .LBB2_1-.Ltmp1, $4  }
0x7a: {  	[hbm4b:s22+s2] =	stream.linear.scatter [tilespmem:s15], [sflag:$0x6], $0x4000, $0x38;
	[tilespmem:$0x11A00] =	vst v63  }
0x7b: {  	_ =	swait.ge [sflag:s17], $0x4000  }
0x7c: {  	[sflag:s17] =	ssyncset.done $0x0  }
0x7d: {  	[sflag:s17] =	ssyncadd.s32 $0xFFFFC000  }
0x7e: {  	_ =	sfence.sel $0x180000  }
0x7f: {  	[bflag:$0x0] =	sbarrier.arrive $0xFFFF  }
0x80: {  	p0 =	sne.s32 s0, $0x0;
	_ =	strace $0x9000004A  }
0x81: {  	s0 =	sadd.s32 @!p0 $0x100000, s1;
	[bflag:$0x2] =	sbarrier.arrive $0xFFFF  }
0x82: {  	[sflag:s0] =	ssyncadd.tile.s32 @!p0 $0x1;
	_ =	shalt  }
.Lfunc_end2:
_tile_overlayer_lowered:
.L_overlay_start_2:
0x83: {  	(tag) =	ssettag $0x2  }
0x84: {  	s0 =	rddreg [dreg:$0x0];
	s2 =	stileid.u32  }
0x85: {  	s1 =	rddreg [dreg:$0x1];
	p0 =	sne.s32 s2, $0x0  }
0x86: {  	s3 =	rddreg [dreg:$0x2];
	[bflag:$0x3] =	sbarrier.arrive $0xFFFF;
	s2 =	simm.s32 @!p0 $0x1C06  }
0x87: {  	[timem:s3], [sflag:s2] =	dma.local @!p0 [hbm:s0], s1  }
0x88: {  	s0 =	simm.s32 @!p0 $0x6  }
0x89: {  	_ =	swait.ge @!p0 [sflag:s0], s1  }
0x8a: {  	s1 =	ssub.s32 @!p0 $0x0, s1;
	[sflag:s0] =	ssyncset.done @!p0 $0x0  }
0x8b: {  	[sflag:s0] =	ssyncadd.s32 @!p0 s1  }
0x8c: {  	[bflag:$0x3] =	sbarrier.arrive $0xFFFF  }
0x8d: {  	_ =	shalt  }

// kernel: kernel.9.cloned.1.call-start
scs
__scs_entry_jumppad:
0x0: {  	(pc) =	sbr.rel $0x88, $3  }
0x1: {  	(tag) =	ssettag $0x0;
	lr =	simm.s32 $0x1  }
0x2: {  	[smem:$0x3F99] =	sst lr;
	_ =	strace $0xD0000000  }
0x3: {  	_ = 	snop  }
0x4: {  	_ = 	snop  }
0x5: {  	_ = 	snop  }
0x6: {  	_ = 	snop  }
0x7: {  	_ = 	snop  }
__scs_overlays_trampoline_lowered:
0x8: {  	[smem:$0x3FA8] =	sst s0  }
0x9: {  	[smem:$0x3FA9] =	sst s1  }
0xa: {  	[smem:$0x3FAA] =	sst s2  }
0xb: {  	[smem:$0x3FAB] =	sst s3  }
0xc: {  	[smem:$0x3FAC] =	sst s4  }
0xd: {  	[smem:$0x3FAD] =	sst s5  }
0xe: {  	[smem:$0x3FAE] =	sst s6  }
0xf: {  	[smem:$0x3FAF] =	sst s7  }
0x10: {  	[smem:$0x3FB0] =	sst s8  }
0x11: {  	[smem:$0x3FB1] =	sst s9;
	s0 =	simm.s32 @!p0 $0x0  }
0x12: {  	s1 =	sld [smem:$0x3F97];
	s0 =	simm.s32 @p0 $0x1  }
0x13: {  	[smem:$0x3FB2] =	sst s0;
	s0 =	simm.s32 @!p1 $0x0  }
0x14: {  	s2 =	sld [smem:$0x3F96];
	s0 =	simm.s32 @p1 $0x1  }
0x15: {  	[smem:$0x3FB3] =	sst s0;
	s0 =	simm.s32 @!p2 $0x0  }
0x16: {  	s3 =	sld [smem:$0x3FDB];
	s0 =	simm.s32 @p2 $0x1  }
0x17: {  	s4 =	simm.s32 $0x1BF5;
	[smem:$0x3FB5] =	sst s0  }
0x18: {  	s0 =	sld [smem:$0x3F98];
	_ =	swait.ge [sflag:s4], $0x0  }
0x19: {  	s7 =	sld [smem:$0x3F99]  }
0x1a: {  	s8 =	sadd.s32 $0xFFFFE003, lr  }
0x1b: {  	s9 =	sadd.s32 $0xFFFFFEF7, lr;
	s5 =	simm.s32 $0xFFFFFFFF;
	p2 =	slt.u32 s8, $0xFFFFF086  }
0x1c: {  	p1 =	slt.u32 s9, $0xF7A;
	s5 =	simm.s32 @!p2 $0x0  }
0x1d: {  	s5 =	simm.s32 @p1 $0x1;
	p0 =	seq.s32 s7, s2  }
0x1e: {  	s7 =	smul.u32 @!p0 $0xF7A, s2;
	p2 =	seq.s32 @!p0 s5, $0x0  }
0x1f: {  	s9 =	smul.u32 $0xF7A, s1;
	s8 =	simm.s32 @!p0 $0x1BF5;
	p2 =	por !p2, p0  }
0x20: {  	[sflag:s8] =	ssyncset.s32 @!p0 $0xFFFFF086;
	s6 =	sadd.s32 @!p0 s3, s7;
	s7 =	simm.s32 @!p0 $0x108  }
0x21: {  	s3 =	sadd.s32 s3, s9;
	s6 =	sadd.s32 @!p0 $0x88, s6;
	s7 =	simm.s32 @p2 $0x1082  }
0x22: {  	[simem:s7], [sflag:s8] =	dma.local @!p0 [hbm:s6], $0xF7A  }
0x23: {  	s9 =	sor.u32 $0xD0000000, s2;
	s6 =	simm.s32 $0x108;
	_ =	swait.ge @!p0 [sflag:s8], $0x0  }
0x24: {  	s3 =	sadd.s32 $0x88, s3;
	s6 =	simm.s32 @!p1 $0x1082;
	[sflag:s4] =	ssyncset.s32 $0xFFFFF086  }
0x25: {  	[simem:s6], [sflag:s4] =	dma.local [hbm:s3], $0xF7A  }
0x26: {  	[smem:$0x3F99] =	sst s1;
	(tag) =	ssettag s2;
	_ =	strace s9  }
0x27: {  	s1 =	sld [smem:$0x3FA9]  }
0x28: {  	s2 =	sld [smem:$0x3FAA]  }
0x29: {  	s4 =	sld [smem:$0x3FAC]  }
0x2a: {  	p0 =	seq.s32 s5, $0x0;
	s5 =	sld [smem:$0x3FAD]  }
0x2b: {  	s6 =	sld [smem:$0x3FAE]  }
0x2c: {  	s7 =	sld [smem:$0x3FAF]  }
0x2d: {  	s3 =	simm.s32 $0x108;
	s8 =	sld [smem:$0x3FB0]  }
0x2e: {  	s3 =	simm.s32 @!p0 $0x1082;
	s9 =	sld [smem:$0x3FB1]  }
0x2f: {  	lr =	sadd.s32 s0, s3;
	s0 =	sld [smem:$0x3FA8]  }
0x30: {  	s3 =	sld [smem:$0x3FAB]  }
0x31: {  	[smem:$0x3FB4] =	sst s10  }
0x32: {  	s10 =	sld [smem:$0x3FB2];
	_ =	sdelay $0x3  }
0x33: {  	p0 =	seq.s32 s10, $0x1;
	s10 =	sld [smem:$0x3FB4];
	_ =	sdelay $0x3  }
0x34: {  	[smem:$0x3FB4] =	sst s10  }
0x35: {  	s10 =	sld [smem:$0x3FB3];
	_ =	sdelay $0x3  }
0x36: {  	p1 =	seq.s32 s10, $0x1;
	s10 =	sld [smem:$0x3FB4];
	_ =	sdelay $0x3  }
0x37: {  	[smem:$0x3FB4] =	sst s10  }
0x38: {  	s10 =	sld [smem:$0x3FB5]  }
0x39: {  	_ = 	snop;
	(pc) =	sbr.ind lr, $3  }
0x3a: {  	_ = 	snop  }
0x3b: {  	_ = 	snop  }
0x3c: {  	p2 =	seq.s32 s10, $0x1;
	s10 =	sld [smem:$0x3FB4]  }
0x3d: {  	_ =	shalt  }
0x3e: {  	_ =	shalt  }
0x3f: {  	_ =	shalt  }
0x40: {  	_ =	shalt  }
0x41: {  	_ =	shalt  }
0x42: {  	_ =	shalt  }
0x43: {  	_ =	shalt  }
0x44: {  	_ =	shalt  }
0x45: {  	_ =	shalt  }
0x46: {  	_ =	shalt  }
0x47: {  	_ =	shalt  }
0x48: {  	_ =	shalt  }
0x49: {  	_ =	shalt  }
0x4a: {  	_ =	shalt  }
0x4b: {  	_ =	shalt  }
0x4c: {  	_ =	shalt  }
0x4d: {  	_ =	shalt  }
0x4e: {  	_ =	shalt  }
0x4f: {  	_ =	shalt  }
0x50: {  	_ =	shalt  }
0x51: {  	_ =	shalt  }
0x52: {  	_ =	shalt  }
0x53: {  	_ =	shalt  }
0x54: {  	_ =	shalt  }
0x55: {  	_ =	shalt  }
0x56: {  	_ =	shalt  }
0x57: {  	_ =	shalt  }
0x58: {  	_ =	shalt  }
0x59: {  	_ =	shalt  }
0x5a: {  	_ =	shalt  }
0x5b: {  	_ =	shalt  }
0x5c: {  	_ =	shalt  }
0x5d: {  	_ =	shalt  }
0x5e: {  	_ =	shalt  }
0x5f: {  	_ =	shalt  }
0x60: {  	_ =	shalt  }
0x61: {  	_ =	shalt  }
0x62: {  	_ =	shalt  }
0x63: {  	_ =	shalt  }
0x64: {  	_ =	shalt  }
0x65: {  	_ =	shalt  }
0x66: {  	_ =	shalt  }
0x67: {  	_ =	shalt  }
0x68: {  	_ =	shalt  }
0x69: {  	_ =	shalt  }
0x6a: {  	_ =	shalt  }
0x6b: {  	_ =	shalt  }
0x6c: {  	_ =	shalt  }
0x6d: {  	_ =	shalt  }
0x6e: {  	_ =	shalt  }
0x6f: {  	_ =	shalt  }
0x70: {  	_ =	shalt  }
0x71: {  	_ =	shalt  }
0x72: {  	_ =	shalt  }
0x73: {  	_ =	shalt  }
0x74: {  	_ =	shalt  }
0x75: {  	_ =	shalt  }
0x76: {  	_ =	shalt  }
0x77: {  	_ =	shalt  }
0x78: {  	_ =	shalt  }
0x79: {  	_ =	shalt  }
0x7a: {  	_ =	shalt  }
0x7b: {  	_ =	shalt  }
0x7c: {  	_ =	shalt  }
0x7d: {  	_ =	shalt  }
0x7e: {  	_ =	shalt  }
0x7f: {  	_ =	shalt  }
0x80: {  	_ =	shalt  }
0x81: {  	_ =	shalt  }
0x82: {  	_ =	shalt  }
0x83: {  	_ =	shalt  }
0x84: {  	_ =	shalt  }
0x85: {  	_ =	shalt  }
0x86: {  	_ =	shalt  }
0x87: {  	_ =	shalt  }
.Lfunc_end0:
.L_simem_size_0:
called_computation.1_lowered:
.L_overlay_start_0:
0x88: {  	s2 =	sld [smem:$0x3FD9]  }
0x89: {  	s3 =	sld [smem:$0x3FFE];
	_ =	sdelay $0x1  }
0x8a: {  	s1 =	srdreg.scid  }
0x8b: {  	s0 =	sand.u32 $0x1, s1  }
0x8c: {  	s16 =	sshll.u32 s0, $0xA;
	s2 =	sadd.s32 s3, s2  }
0x8d: {  	s2 =	sadd.s32 s2, s16  }
0x8e: {  	[smem:$0x3FC0] =	sst s2  }
0x8f: {  	_ = 	snop  }
0x90: {  	(tm) =	ssettm $0x1  }
0x91: {  	s17 =	sld [smem:$0x3FFB];
	_ =	sdelay $0x3  }
0x92: {  	_ =	strace s17  }
0x93: {  	s2 =	sld [smem:$0x3FFC];
	_ =	sdelay $0x3  }
0x94: {  	_ =	strace s2  }
0x95: {  	s2 =	sld [smem:$0x3FFD];
	_ =	sdelay $0x3  }
0x96: {  	_ =	strace s2  }
0x97: {  	_ =	strace $0x8FFFFFFF  }
0x98: {  	s18 =	sld [smem:$0x3FDB];
	_ =	sdelay $0x1  }
0x99: {  	s19 =	simm.s32 $_scs_section_size  }
0x9a: {  	s4 =	simm.s32 $_size__tile_overlayer_lowered;
	s5 =	simm.s32 $_tile_overlayer_lowered  }
0x9b: {  	s22 =	simm.s32 $0x1BFF;
	s21 =	sshll.u32 s5, $0x1;
	s2 =	sadd.s32 s19, s18  }
0x9c: {  	s6 =	simm.s32 $0x0;
	s20 =	sshll.u32 s4, $0x1;
	s4 =	sadd.s32 s21, s2  }
0x9d: {  	[timem:s6], [sflag:s22] =	dma.local [hbm:s4], s20  }
0x9e: {  	_ =	swait.ge [sflag:s22], s20  }
0x9f: {  	s3 =	ssub.s32 $0x0, s20;
	[sflag:s22] =	ssyncset.done $0x0  }
0xa0: {  	[sflag:s22] =	ssyncadd.s32 s3;
	_ =	sdelay $0x1  }
0xa1: {  	s23 =	simm.s32 $0x1B8B  }
0xa2: {  	_ =	swait.ge [sflag:s23], $0x1  }
0xa3: {  	[sflag:s23] =	ssyncset.done $0x0  }
0xa4: {  	s25 =	simm.s32 $0x1B8E;
	s24 =	sld [smem:$0x3FFE];
	[sflag:s23] =	ssyncadd.s32 $0xFFFFFFFF  }
0xa5: {  	s26 =	simm.s32 $execute0_lowered;
	[smem:$0x3FD2] =	sst s25  }
0xa6: {  	s4 =	sshll.u32 s26, $0x1;
	_ =	strace $0x80000046;
	[dreg:$0x1] =	wrdreg $0xFFFFFFFF  }
0xa7: {  	s28 =	simm.s32 $_size_execute0_lowered;
	s2 =	sadd.s32 s2, s4;
	[dreg:$0x0] =	wrdreg $0x0  }
0xa8: {  	s4 =	sshll.u32 s28, $0x1;
	[dreg:$0x2] =	wrdreg s2  }
0xa9: {  	[dreg:$0x3] =	wrdreg s4  }
0xaa: {  	[dreg:$0x4] =	wrdreg $0xC0  }
0xab: {  	_ =	task [dreg:s6], $0x5FFFF  }
0xac: {  	[dreg:$0x1] =	wrdreg $0xFFFFFFFF  }
0xad: {  	[dreg:$0x0] =	wrdreg $0x60  }
0xae: {  	[dreg:$0x2] =	wrdreg s24  }
0xaf: {  	[dreg:$0x3] =	wrdreg $0xA  }
0xb0: {  	_ =	task.clear_ibuf [dreg:s6], $0x4FFFF;
	_ =	strace $0x90000046  }
0xb1: {  	s29 =	simm.s32 $0xA;
	_ =	strace $0x80000048  }
0xb2: {  	_ =	swait.ge [sflag:s29], $0x1  }
0xb3: {  	[sflag:s29] =	ssyncadd.s32 $0xFFFFFFFF  }
0xb4: {  	_ =	strace $0x90000048  }
0xb5: {  	_ =	sfence  }
0xb6: {  	s30 =	sld [smem:$0x0];
	_ =	sdelay $0x2  }
0xb7: {  	s31 =	sshll.u32 s1, $0xD;
	s1 =	sshrl.u32 s1, $0x2  }
0xb8: {  	s3 =	sand.u32 $0x4000, s31;
	s1 =	sadd.s32 s1, s30  }
0xb9: {  	s0 =	sor.u32 s3, s0;
	s1 =	sshll.u32 s1, $0x11  }
0xba: {  	s0 =	sor.u32 s1, s0  }
0xbb: {  	s0 =	sadd.s32 $0x8F2B, s0  }
0xbc: {  	[sflag:s0] =	ssyncadd.remote.s32 $0x1  }
0xbd: {  	_ =	sfence.sel $0xFFFF  }
0xbe: {  	[dreg:$0x0] =	wrdreg $0xFFFFFFFF;
	(pc) =	sbr.abs _section_cstart, $3  }
0xbf: {  	[dreg:$0x1] =	wrdreg $0xFFFFFFFF  }
0xc0: {  	_ =	task.clear_ibuf [dreg:s6], $0x2FFFF;
	_ =	strace $0x9FFFFFFF  }
0xc1: {  	(tm) =	ssettm $0x7FFFFFFF  }
tec
execute0_lowered:
.L_overlay_start_1:
0x0: {  	(tag) =	ssettag $0x1  }
0x1: {  	s1 =	srdreg.scid;
	s0 =	stileid.u32  }
0x2: {  	s4 =	rddreg [dreg:$0x0];
	s2 =	simm.s32 $0x0;
	s13 =	simm.s32 $0x5A00  }
0x3: {  	s14 =	simm.s32 $0x9A00;
	s15 =	simm.s32 $0xDA00;
	s16 =	simm.s32 $0x1  }
0x4: {  	s17 =	simm.s32 $0x6;
	s18 =	simm.s32 $0x2;
	s19 =	simm.s32 $0x3  }
0x5: {  	s20 =	simm.s32 $0x4;
	s21 =	simm.s32 $0x0;
	s5 =	sand.u32 $0x1, s1  }
0x6: {  	s28 =	sshll.u32 s0, $0x1;
	s1 =	rddreg [dreg:$0x1];
	s6 =	smul.u32 $0x3400, s0  }
0x7: {  	[smem:$0x7FF] =	sst s2;
	s10 =	sadd.s32 $0x27BC200, s4;
	s31 =	smul.u32 $0x34000, s0  }
0x8: {  	s3 =	sor.u32 s5, s28;
	s8 =	smul.u32 $0x1A00, s5;
	s9 =	ssub.s32 $0x2, s5  }
0x9: {  	_ =	strace $0x80000047;
	s3 =	smul.u32 $0x1A00, s3;
	s29 =	sshrl.u32 s9, $0x1  }
0xa: {  	s12 =	smul.u32 $0x1A000, s5;
	s6 =	sadd.s32 s8, s6;
	s30 =	ssub.s32 s9, s29  }
0xb: {  	s9 =	sadd.s32 s31, s10;
	s7 =	sshrl.u32 s3, $0x3;
	s3 =	sadd.s32 $0xFE00, s4  }
0xc: {  	s6 =	sshll.u32 s6, $0x4;
	s5 =	smax.u32 s30, $0x1;
	s9 =	sadd.s32 s12, s9  }
0xd: {  	s12 =	simm.s32 $0x1A00;
	s7 =	sadd.s32 s7, s4;
	s11 =	sadd.s32 s6, s10  }
0xe: {  	s10 =	simm.s32 $0x5;
	s4 =	sadd.s32 $0x9600, s7;
	s6 =	sadd.s32 $0x1800, s11  }
0xf: {  	s7 =	sadd.s32 $0x1000, s11;
	s8 =	sadd.s32 $0x800, s11;
	s11 =	simm.s32 $0x80  }
.LBB2_1:
0x10: {  	[tilespmem:s2], [sflag:$0x5] =	stream.linear.gather [hbm4b:s4+s2], $0x1A00, $0x38;
	[tilespmem:$0x11A00] =	vst v63  }
0x11: {  	_ =	swait.ge [sflag:s10], $0x1A00  }
0x12: {  	[sflag:s10] =	ssyncset.done $0x0  }
0x13: {  	s22 =	simm.s32 $0x0;
	[sflag:s10] =	ssyncadd.s32 $0xFFFFE600  }
0x14: {  	[tilespmem:s12], [sflag:$0x1] =	stream.indirect.gather [hbm4b:s3+s11], $0x20, s22, s11, $0xb8;
	[tilespmem:$0x11A00] =	vst v63  }
0x15: {  	s28 =	simm.s32 $0x80  }
0x16: {  	[tilespmem:s13], [sflag:$0x2] =	stream.indirect.gather [hbm4b:s3+s11], $0x20, s28, s11, $0xb8;
	[tilespmem:$0x11A00] =	vst v63  }
0x17: {  	s30 =	simm.s32 $0x100  }
0x18: {  	[tilespmem:s14], [sflag:$0x3] =	stream.indirect.gather [hbm4b:s3+s11], $0x20, s30, s11, $0xb8;
	[tilespmem:$0x11A00] =	vst v63  }
0x19: {  	s31 =	simm.s32 $0x180  }
0x1a: {  	[tilespmem:s15], [sflag:$0x4] =	stream.indirect.gather [hbm4b:s3+s11], $0x20, s31, s11, $0xb8;
	[tilespmem:$0x11A00] =	vst v63  }
0x1b: {  	_ =	swait.ge [sflag:s16], $0x1000  }
0x1c: {  	[sflag:s16] =	ssyncset.done $0x0  }
0x1d: {  	[sflag:s16] =	ssyncadd.s32 $0xFFFFF000  }
0x1e: {  	[hbm4b:s9+s2] =	stream.linear.scatter [tilespmem:s12], [sflag:$0x6], $0x4000, $0x38;
	[tilespmem:$0x11A00] =	vst v63  }
0x1f: {  	_ =	swait.ge [sflag:s17], $0x4000  }
0x20: {  	[sflag:s17] =	ssyncset.done $0x0  }
0x21: {  	[sflag:s17] =	ssyncadd.s32 $0xFFFFC000  }
0x22: {  	_ =	swait.ge [sflag:s18], $0x1000  }
0x23: {  	[sflag:s18] =	ssyncset.done $0x0  }
0x24: {  	[sflag:s18] =	ssyncadd.s32 $0xFFFFF000  }
0x25: {  	[hbm4b:s8+s2] =	stream.linear.scatter [tilespmem:s13], [sflag:$0x6], $0x4000, $0x38;
	[tilespmem:$0x11A00] =	vst v63  }
0x26: {  	_ =	swait.ge [sflag:s17], $0x4000  }
0x27: {  	[sflag:s17] =	ssyncset.done $0x0  }
0x28: {  	[sflag:s17] =	ssyncadd.s32 $0xFFFFC000  }
0x29: {  	_ =	swait.ge [sflag:s19], $0x1000  }
0x2a: {  	[sflag:s19] =	ssyncset.done $0x0  }
0x2b: {  	[sflag:s19] =	ssyncadd.s32 $0xFFFFF000  }
0x2c: {  	[hbm4b:s7+s2] =	stream.linear.scatter [tilespmem:s14], [sflag:$0x6], $0x4000, $0x38;
	[tilespmem:$0x11A00] =	vst v63  }
0x2d: {  	_ =	swait.ge [sflag:s17], $0x4000  }
0x2e: {  	[sflag:s17] =	ssyncset.done $0x0  }
0x2f: {  	[sflag:s17] =	ssyncadd.s32 $0xFFFFC000  }
0x30: {  	_ =	swait.ge [sflag:s20], $0x1000  }
0x31: {  	[sflag:s20] =	ssyncset.done $0x0  }
0x32: {  	s26 =	simm.s32 $0x800;
	s29 =	simm.s32 $0x1000;
	[sflag:s20] =	ssyncadd.s32 $0xFFFFF000  }
0x33: {  	[hbm4b:s6+s2] =	stream.linear.scatter [tilespmem:s15], [sflag:$0x6], $0x4000, $0x38;
	[tilespmem:$0x11A00] =	vst v63  }
0x34: {  	s24 =	sadd.s32 $0x2000, s8;
	s25 =	sadd.s32 $0x2000, s9;
	_ =	swait.ge [sflag:s17], $0x4000  }
0x35: {  	s23 =	sadd.s32 $0x2000, s7;
	s22 =	sadd.s32 $0x2000, s6;
	[sflag:s17] =	ssyncset.done $0x0  }
.LBB2_2:
0x36: {  	s30 =	sshra.s32 s26, $0x2  }
0x37: {  	[sflag:s17] =	ssyncadd.s32 $0xFFFFC000;
	s26 =	smov.u32 s29;
	s28 =	sadd.s32 $0x800, s29  }
0x38: {  	[tilespmem:s12], [sflag:$0x1] =	stream.indirect.gather [hbm4b:s3+s11], $0x20, s30, s11, $0xb8;
	[tilespmem:$0x11A00] =	vst v63  }
0x39: {  	p0 =	sne.s32 s29, $0x6000;
	s29 =	sadd.s32 $0x80, s30  }
0x3a: {  	[tilespmem:s13], [sflag:$0x2] =	stream.indirect.gather [hbm4b:s3+s11], $0x20, s29, s11, $0xb8;
	[tilespmem:$0x11A00] =	vst v63  }
0x3b: {  	s29 =	sadd.s32 $0x100, s30  }
0x3c: {  	[tilespmem:s14], [sflag:$0x3] =	stream.indirect.gather [hbm4b:s3+s11], $0x20, s29, s11, $0xb8;
	[tilespmem:$0x11A00] =	vst v63  }
0x3d: {  	s29 =	sadd.s32 $0x180, s30  }
0x3e: {  	[tilespmem:s15], [sflag:$0x4] =	stream.indirect.gather [hbm4b:s3+s11], $0x20, s29, s11, $0xb8;
	[tilespmem:$0x11A00] =	vst v63  }
0x3f: {  	_ =	swait.ge [sflag:s16], $0x1000  }
0x40: {  	[sflag:s16] =	ssyncset.done $0x0  }
0x41: {  	[sflag:s16] =	ssyncadd.s32 $0xFFFFF000  }
0x42: {  	[hbm4b:s25+s2] =	stream.linear.scatter [tilespmem:s12], [sflag:$0x6], $0x4000, $0x38;
	[tilespmem:$0x11A00] =	vst v63  }
0x43: {  	_ =	swait.ge [sflag:s17], $0x4000  }
0x44: {  	[sflag:s17] =	ssyncset.done $0x0  }
0x45: {  	[sflag:s17] =	ssyncadd.s32 $0xFFFFC000  }
0x46: {  	_ =	swait.ge [sflag:s18], $0x1000  }
0x47: {  	[sflag:s18] =	ssyncset.done $0x0  }
0x48: {  	[sflag:s18] =	ssyncadd.s32 $0xFFFFF000  }
0x49: {  	[hbm4b:s24+s2] =	stream.linear.scatter [tilespmem:s13], [sflag:$0x6], $0x4000, $0x38;
	[tilespmem:$0x11A00] =	vst v63  }
0x4a: {  	_ =	swait.ge [sflag:s17], $0x4000  }
0x4b: {  	[sflag:s17] =	ssyncset.done $0x0  }
0x4c: {  	[sflag:s17] =	ssyncadd.s32 $0xFFFFC000  }
0x4d: {  	_ =	swait.ge [sflag:s19], $0x1000  }
0x4e: {  	[sflag:s19] =	ssyncset.done $0x0  }
0x4f: {  	[sflag:s19] =	ssyncadd.s32 $0xFFFFF000  }
0x50: {  	[hbm4b:s23+s2] =	stream.linear.scatter [tilespmem:s14], [sflag:$0x6], $0x4000, $0x38;
	[tilespmem:$0x11A00] =	vst v63  }
0x51: {  	_ =	swait.ge [sflag:s17], $0x4000  }
0x52: {  	[sflag:s17] =	ssyncset.done $0x0  }
0x53: {  	[sflag:s17] =	ssyncadd.s32 $0xFFFFC000  }
0x54: {  	_ =	swait.ge [sflag:s20], $0x1000  }
.Ltmp0:
0x55: {  	[sflag:s20] =	ssyncset.done $0x0;
	(pc) =	sbr.rel @p0 .LBB2_2-.Ltmp0, $4  }
0x56: {  	s29 =	smov.u32 s28;
	[sflag:s20] =	ssyncadd.s32 $0xFFFFF000  }
0x57: {  	[hbm4b:s22+s2] =	stream.linear.scatter [tilespmem:s15], [sflag:$0x6], $0x4000, $0x38;
	[tilespmem:$0x11A00] =	vst v63  }
0x58: {  	s25 =	sadd.s32 $0x2000, s25;
	s24 =	sadd.s32 $0x2000, s24;
	_ =	swait.ge [sflag:s17], $0x4000  }
0x59: {  	s23 =	sadd.s32 $0x2000, s23;
	s22 =	sadd.s32 $0x2000, s22;
	[sflag:s17] =	ssyncset.done $0x0  }
0x5a: {  	s26 =	sshra.s32 s26, $0x2;
	[sflag:s17] =	ssyncadd.s32 $0xFFFFC000  }
0x5b: {  	[tilespmem:s12], [sflag:$0x1] =	stream.indirect.gather [hbm4b:s3+s11], $0x20, s26, s11, $0xb8;
	[tilespmem:$0x11A00] =	vst v63  }
0x5c: {  	s28 =	sadd.s32 $0x80, s26  }
0x5d: {  	[tilespmem:s13], [sflag:$0x2] =	stream.indirect.gather [hbm4b:s3+s11], $0x20, s28, s11, $0xb8;
	[tilespmem:$0x11A00] =	vst v63  }
0x5e: {  	s31 =	sadd.s32 $0x100, s26  }
0x5f: {  	[tilespmem:s14], [sflag:$0x3] =	stream.indirect.gather [hbm4b:s3+s11], $0x20, s31, s11, $0xb8;
	[tilespmem:$0x11A00] =	vst v63  }
0x60: {  	s26 =	sadd.s32 $0x180, s26  }
0x61: {  	[tilespmem:s15], [sflag:$0x4] =	stream.indirect.gather [hbm4b:s3+s11], $0x20, s26, s11, $0xb8;
	[tilespmem:$0x11A00] =	vst v63  }
0x62: {  	_ =	swait.ge [sflag:s16], $0x1000  }
0x63: {  	[sflag:s16] =	ssyncset.done $0x0  }
0x64: {  	[sflag:s16] =	ssyncadd.s32 $0xFFFFF000  }
0x65: {  	[hbm4b:s25+s2] =	stream.linear.scatter [tilespmem:s12], [sflag:$0x6], $0x4000, $0x38;
	[tilespmem:$0x11A00] =	vst v63  }
0x66: {  	_ =	swait.ge [sflag:s17], $0x4000  }
0x67: {  	[sflag:s17] =	ssyncset.done $0x0  }
0x68: {  	[sflag:s17] =	ssyncadd.s32 $0xFFFFC000  }
0x69: {  	_ =	swait.ge [sflag:s18], $0x1000  }
0x6a: {  	[sflag:s18] =	ssyncset.done $0x0  }
0x6b: {  	[sflag:s18] =	ssyncadd.s32 $0xFFFFF000  }
0x6c: {  	[hbm4b:s24+s2] =	stream.linear.scatter [tilespmem:s13], [sflag:$0x6], $0x4000, $0x38;
	[tilespmem:$0x11A00] =	vst v63  }
0x6d: {  	_ =	swait.ge [sflag:s17], $0x4000  }
0x6e: {  	[sflag:s17] =	ssyncset.done $0x0  }
0x6f: {  	[sflag:s17] =	ssyncadd.s32 $0xFFFFC000  }
0x70: {  	_ =	swait.ge [sflag:s19], $0x1000  }
0x71: {  	[sflag:s19] =	ssyncset.done $0x0  }
0x72: {  	[sflag:s19] =	ssyncadd.s32 $0xFFFFF000  }
0x73: {  	[hbm4b:s23+s2] =	stream.linear.scatter [tilespmem:s14], [sflag:$0x6], $0x4000, $0x38;
	[tilespmem:$0x11A00] =	vst v63  }
0x74: {  	_ =	swait.ge [sflag:s17], $0x4000  }
0x75: {  	[sflag:s17] =	ssyncset.done $0x0  }
0x76: {  	[sflag:s17] =	ssyncadd.s32 $0xFFFFC000  }
0x77: {  	s21 =	sadd.s32 $0x1, s21;
	_ =	swait.ge [sflag:s20], $0x1000  }
0x78: {  	p0 =	sne.s32 s21, s5;
	[sflag:s20] =	ssyncset.done $0x0  }
.Ltmp1:
0x79: {  	[sflag:s20] =	ssyncadd.s32 $0xFFFFF000;
	(pc) =	sbr.rel @p0 .LBB2_1-.Ltmp1, $4  }
0x7a: {  	[hbm4b:s22+s2] =	stream.linear.scatter [tilespmem:s15], [sflag:$0x6], $0x4000, $0x38;
	[tilespmem:$0x11A00] =	vst v63  }
0x7b: {  	_ =	swait.ge [sflag:s17], $0x4000  }
0x7c: {  	[sflag:s17] =	ssyncset.done $0x0  }
0x7d: {  	[sflag:s17] =	ssyncadd.s32 $0xFFFFC000  }
0x7e: {  	_ =	sfence.sel $0x180000  }
0x7f: {  	[bflag:$0x0] =	sbarrier.arrive $0xFFFF  }
0x80: {  	p0 =	sne.s32 s0, $0x0;
	_ =	strace $0x90000047  }
0x81: {  	s0 =	sadd.s32 @!p0 $0x100000, s1;
	[bflag:$0x2] =	sbarrier.arrive $0xFFFF  }
0x82: {  	[sflag:s0] =	ssyncadd.tile.s32 @!p0 $0x1;
	_ =	shalt  }
.Lfunc_end2:
_tile_overlayer_lowered:
.L_overlay_start_2:
0x83: {  	(tag) =	ssettag $0x2  }
0x84: {  	s0 =	rddreg [dreg:$0x0];
	s2 =	stileid.u32  }
0x85: {  	s1 =	rddreg [dreg:$0x1];
	p0 =	sne.s32 s2, $0x0  }
0x86: {  	s3 =	rddreg [dreg:$0x2];
	[bflag:$0x3] =	sbarrier.arrive $0xFFFF;
	s2 =	simm.s32 @!p0 $0x1C06  }
0x87: {  	[timem:s3], [sflag:s2] =	dma.local @!p0 [hbm:s0], s1  }
0x88: {  	s0 =	simm.s32 @!p0 $0x6  }
0x89: {  	_ =	swait.ge @!p0 [sflag:s0], s1  }
0x8a: {  	s1 =	ssub.s32 @!p0 $0x0, s1;
	[sflag:s0] =	ssyncset.done @!p0 $0x0  }
0x8b: {  	[sflag:s0] =	ssyncadd.s32 @!p0 s1  }
0x8c: {  	[bflag:$0x3] =	sbarrier.arrive $0xFFFF  }
0x8d: {  	_ =	shalt  }

</sc_bundles>
